<compile_context>
chip_gen: v7x
topology: tpu7x:2x2x1
jax: 0.10.2.dev20260603
libtpu: 0.0.44.dev20260713+nightly
codegen_flags: <defaults>
</compile_context>

<pallas_src>
import functools

import jax
import jax.numpy as jnp
from jax import lax
from jax.experimental import pallas as pl
from jax.experimental.pallas import tpu as pltpu
from jax.experimental.pallas import tpu_sc as plsc

N = 10000
D = 128
E = 320000

NC = 2
NS = 16
NW = NC * NS
PER_W = E // NW
EC = 88
PER_W_PAD = 10032
ECN = PER_W_PAD // EC
N_PAD = 10112
ROWS_PER_TILE = N_PAD // NS
DEG_CHUNK = 2000

_mesh = plsc.VectorSubcoreMesh(
    core_axis_name="c", subcore_axis_name="s", num_cores=NC, num_subcores=NS
)
_sc_params = pltpu.CompilerParams(needs_layout_passes=False)


@functools.partial(
    pl.kernel,
    out_type=jax.ShapeDtypeStruct((NW * N,), jnp.float32),
    mesh=_mesh,
    scratch_types=[
        pltpu.VMEM((N,), jnp.float32),
        pltpu.VMEM((DEG_CHUNK,), jnp.int32),
    ],
    compiler_params=_sc_params,
)
def _deg_kernel(dst_hbm, out_hbm, hist, idxv):
    cid = lax.axis_index("c")
    sid = lax.axis_index("s")
    wid = sid * NC + cid
    zeros16 = jnp.zeros((16,), jnp.float32)
    ones16 = jnp.ones((16,), jnp.float32)

    def zero_body(i, carry):
        hist[pl.ds(i * 16, 16)] = zeros16
        return carry

    lax.fori_loop(0, N // 16, zero_body, 0)

    def chunk_body(c, carry):
        pltpu.sync_copy(
            dst_hbm.at[pl.ds(wid * PER_W + c * DEG_CHUNK, DEG_CHUNK)], idxv
        )

        def inner(j, carry2):
            idx = idxv[pl.ds(j * 16, 16)]
            plsc.addupdate_scatter(hist, [idx], ones16)
            return carry2

        lax.fori_loop(0, DEG_CHUNK // 16, inner, 0)
        return carry

    lax.fori_loop(0, PER_W // DEG_CHUNK, chunk_body, 0)
    pltpu.sync_copy(hist, out_hbm.at[pl.ds(wid * N, N)])


@functools.partial(
    pl.kernel,
    out_type=jax.ShapeDtypeStruct((NC, N_PAD, D), jnp.float32),
    mesh=_mesh,
    scratch_types=[
        pltpu.VMEM((EC,), jnp.int32),
        pltpu.VMEM((EC,), jnp.int32),
        pltpu.VMEM((EC,), jnp.int32),
        pltpu.VMEM((EC,), jnp.int32),
        pltpu.VMEM((EC, D), jnp.float32),
        pltpu.VMEM((EC, D), jnp.float32),
        pltpu.VMEM_SHARED((N_PAD, D), jnp.float32),
        pltpu.SemaphoreType.DMA,
        pltpu.SemaphoreType.DMA,
        pltpu.SemaphoreType.DMA,
        pltpu.SemaphoreType.DMA,
        pltpu.SemaphoreType.DMA,
        pltpu.SemaphoreType.DMA,
    ],
    compiler_params=_sc_params,
)
def _edge_kernel(
    g_hbm, src_hbm, dst_hbm, zero_hbm, out_hbm,
    srcA, srcB, dstA, dstB, rows0, rows1, acc,
    sem0, sem1, semS0, semS1, semD0, semD1,
):
    cid = lax.axis_index("c")
    sid = lax.axis_index("s")
    wid = sid * NC + cid
    base_row = sid * ROWS_PER_TILE
    ebase = wid * PER_W_PAD

    pltpu.sync_copy(src_hbm.at[pl.ds(ebase, EC)], srcA)
    pltpu.async_copy(g_hbm.at[srcA], rows0, sem0)
    pltpu.sync_copy(src_hbm.at[pl.ds(ebase + EC, EC)], srcB)
    pltpu.async_copy(dst_hbm.at[pl.ds(ebase, EC)], dstA, semD0)
    pltpu.sync_copy(
        zero_hbm.at[pl.ds(base_row, ROWS_PER_TILE)],
        acc.at[pl.ds(base_row, ROWS_PER_TILE)],
    )
    plsc.subcore_barrier()

    def chunk_body(i, carry):
        k0 = 2 * i
        k1 = k0 + 1
        pltpu.make_async_copy(g_hbm.at[srcA], rows0, sem0).wait()
        pltpu.async_copy(g_hbm.at[srcB], rows1, sem1)

        @pl.when(k0 + 2 < ECN)
        def _():
            pltpu.async_copy(src_hbm.at[pl.ds(ebase + (k0 + 2) * EC, EC)], srcA, semS0)

        pltpu.make_async_copy(dst_hbm.at[pl.ds(ebase + k0 * EC, EC)], dstA, semD0).wait()
        pltpu.async_copy(dst_hbm.at[pl.ds(ebase + k1 * EC, EC)], dstB, semD1)
        pltpu.sync_copy(rows0, acc.at[dstA], add=True)
        pltpu.make_async_copy(g_hbm.at[srcB], rows1, sem1).wait()

        @pl.when(k0 + 2 < ECN)
        def _():
            pltpu.make_async_copy(
                src_hbm.at[pl.ds(ebase + (k0 + 2) * EC, EC)], srcA, semS0
            ).wait()
            pltpu.async_copy(g_hbm.at[srcA], rows0, sem0)

        @pl.when(k0 + 3 < ECN)
        def _():
            pltpu.async_copy(src_hbm.at[pl.ds(ebase + (k0 + 3) * EC, EC)], srcB, semS1)

        pltpu.make_async_copy(dst_hbm.at[pl.ds(ebase + k1 * EC, EC)], dstB, semD1).wait()
        pltpu.sync_copy(rows1, acc.at[dstB], add=True)

        @pl.when(k0 + 3 < ECN)
        def _():
            pltpu.make_async_copy(
                src_hbm.at[pl.ds(ebase + (k0 + 3) * EC, EC)], srcB, semS1
            ).wait()

        @pl.when(k0 + 2 < ECN)
        def _():
            pltpu.async_copy(dst_hbm.at[pl.ds(ebase + (k0 + 2) * EC, EC)], dstA, semD0)

        return carry

    lax.fori_loop(0, ECN // 2, chunk_body, 0)
    plsc.subcore_barrier()
    pltpu.sync_copy(
        acc.at[pl.ds(base_row, ROWS_PER_TILE)],
        out_hbm.at[cid, pl.ds(base_row, ROWS_PER_TILE)],
    )


R = 1024


def _dinv_from_hist(hist_blk):
    deg = jnp.sum(hist_blk, axis=0) + 1.0
    return lax.rsqrt(deg)


def _pre_body(hist_ref, x_ref, w1_ref, g1_ref):
    dinv = _dinv_from_hist(hist_ref[...])[:, None]
    h = jnp.dot(x_ref[...], w1_ref[...], preferred_element_type=jnp.float32)
    g1_ref[...] = h * dinv


def _mid_body(p_ref, g1_ref, hist_ref, b1_ref, w2_ref, g2_ref):
    dinv = _dinv_from_hist(hist_ref[...])[:, None]
    h1 = jnp.maximum(dinv * (p_ref[0] + p_ref[1] + g1_ref[...]) + b1_ref[...], 0.0)
    g2_ref[...] = (
        jnp.dot(h1, w2_ref[...], preferred_element_type=jnp.float32) * dinv
    )


def _post_body(q_ref, g2_ref, hist_ref, b2_ref, out_ref):
    dinv = _dinv_from_hist(hist_ref[...])[:, None]
    out_ref[...] = jnp.maximum(
        dinv * (q_ref[0] + q_ref[1] + g2_ref[...]) + b2_ref[...], 0.0
    )


_row_spec = pl.BlockSpec((R, D), lambda i: (i, 0))
_pair_spec = pl.BlockSpec((NC, R, D), lambda i: (0, i, 0))
_hist_spec = pl.BlockSpec((NW, R), lambda i: (0, i))
_w_spec = pl.BlockSpec((D, D), lambda i: (0, 0))
_b_spec = pl.BlockSpec((D,), lambda i: (0,))
_nd_shape = jax.ShapeDtypeStruct((N, D), jnp.float32)
_grid = (pl.cdiv(N, R),)

_pre_call = pl.pallas_call(
    _pre_body,
    grid=_grid,
    in_specs=[_hist_spec, _row_spec, _w_spec],
    out_specs=_row_spec,
    out_shape=_nd_shape,
)

_mid_call = pl.pallas_call(
    _mid_body,
    grid=_grid,
    in_specs=[_pair_spec, _row_spec, _hist_spec, _b_spec, _w_spec],
    out_specs=_row_spec,
    out_shape=_nd_shape,
)

_post_call = pl.pallas_call(
    _post_body,
    grid=_grid,
    in_specs=[_pair_spec, _row_spec, _hist_spec, _b_spec],
    out_specs=_row_spec,
    out_shape=_nd_shape,
)


def kernel(x, edge_index, W1, b1, W2, b2):
    pad = PER_W_PAD - PER_W
    src = jnp.reshape(
        jnp.pad(jnp.reshape(edge_index[0], (NW, PER_W)), ((0, 0), (0, pad))),
        (NW * PER_W_PAD,),
    )
    dst = edge_index[1]
    pad_rows = jnp.broadcast_to(
        (N + jnp.arange(NW, dtype=jnp.int32))[:, None], (NW, pad)
    )
    dst3 = jnp.reshape(
        jnp.concatenate([jnp.reshape(dst, (NW, PER_W)), pad_rows], axis=1),
        (NW * PER_W_PAD,),
    )
    hist = jnp.reshape(_deg_kernel(dst), (NW, N))
    zeros = jnp.zeros((N_PAD, D), jnp.float32)
    g1 = _pre_call(hist, x, W1)
    p = _edge_kernel(g1, src, dst3, zeros)
    g2 = _mid_call(p, g1, hist, b1, W2)
    q = _edge_kernel(g2, src, dst3, zeros)
    return _post_call(q, g2, hist, b2)

# --- scband reference (transcript-rebuilt; emitter-appended) ---
"""Pipeline reference for scband-gnn-67774583931071 (READ-ONLY COPY).

The authoritative reference and input builder live on the scoring server;
editing this copy changes nothing except your own understanding.
"""

import jax, jax.numpy as jnp
import numpy as np

N = 10000
E = 320000
D = 128

def setup_inputs(seed: int = 0) -> dict:
    key = jax.random.key(seed)
    k1, k2, k3, k4, k5, k6 = jax.random.split(key, 6)
    x = jax.random.normal(k1, (N, D), dtype=jnp.float32)
    edge_index = jax.random.randint(k2, (2, E), 0, N, dtype=jnp.int32)
    scale = 1.0 / np.sqrt(D)
    W1 = jax.random.normal(k3, (D, D), dtype=jnp.float32) * scale
    b1 = jax.random.normal(k4, (D,), dtype=jnp.float32) * scale
    W2 = jax.random.normal(k5, (D, D), dtype=jnp.float32) * scale
    b2 = jax.random.normal(k6, (D,), dtype=jnp.float32) * scale
    return {"x": x, "edge_index": edge_index, "W1": W1, "b1": b1, "W2": W2, "b2": b2}


def _gcn_layer(x, edge_index, W, b):
    n = x.shape[0]
    src = edge_index[0]
    dst = edge_index[1]
    loop = jnp.arange(n, dtype=src.dtype)
    src = jnp.concatenate([src, loop])
    dst = jnp.concatenate([dst, loop])
    deg = jax.ops.segment_sum(jnp.ones(src.shape[0], dtype=x.dtype), dst, num_segments=n)
    dinv = jnp.where(deg > 0, jax.lax.rsqrt(jnp.maximum(deg, 1e-12)), 0.0)
    norm = dinv[src] * dinv[dst]
    h = x @ W
    msg = jnp.take(h, src, axis=0) * norm[:, None]
    out = jax.ops.segment_sum(msg, dst, num_segments=n)
    return out + b


def reference(x, edge_index, W1, b1, W2, b2):
    # layer 1: Dropout(Relu(GC(x))); dropout p=0.0 -> identity
    h = jax.nn.relu(_gcn_layer(x, edge_index, W1, b1))
    # layer 2
    h = jax.nn.relu(_gcn_layer(h, edge_index, W2, b2))
    return h

if __name__ == "__main__":
    import jax
    _d = setup_inputs()
    print(jax.jit(kernel)(*tuple(_d.values())))

</pallas_src>

<mosaic_0001>
#map = affine_map<(d0, d1) -> (0, 0)>
#map1 = affine_map<(d0, d1) -> (0)>
#map2 = affine_map<(d0, d1) -> (0, 0, 0)>
module attributes {stable_mosaic.version = 14 : i64} {
  func.func @_edge_kernel(%arg0: i32, %arg1: i32, %arg2: memref<10000x128xf32, #tpu.memory_space<hbm>>, %arg3: memref<321024xi32, #tpu.memory_space<hbm>>, %arg4: memref<321024xi32, #tpu.memory_space<hbm>>, %arg5: memref<10112x128xf32, #tpu.memory_space<hbm>>, %arg6: memref<2x10112x128xf32, #tpu.memory_space<hbm>>, %arg7: memref<88xi32, #tpu.memory_space<vmem>>, %arg8: memref<88xi32, #tpu.memory_space<vmem>>, %arg9: memref<88xi32, #tpu.memory_space<vmem>>, %arg10: memref<88xi32, #tpu.memory_space<vmem>>, %arg11: memref<88x128xf32, #tpu.memory_space<vmem>>, %arg12: memref<88x128xf32, #tpu.memory_space<vmem>>, %arg13: memref<10112x128xf32, #tpu.memory_space<vmem_shared>>, %arg14: memref<!tpu.dma_semaphore, #tpu.memory_space<semaphore_mem>>, %arg15: memref<!tpu.dma_semaphore, #tpu.memory_space<semaphore_mem>>, %arg16: memref<!tpu.dma_semaphore, #tpu.memory_space<semaphore_mem>>, %arg17: memref<!tpu.dma_semaphore, #tpu.memory_space<semaphore_mem>>, %arg18: memref<!tpu.dma_semaphore, #tpu.memory_space<semaphore_mem>>, %arg19: memref<!tpu.dma_semaphore, #tpu.memory_space<semaphore_mem>>) attributes {dimension_semantics = [#tpu.dimension_semantics<core_parallel>, #tpu.dimension_semantics<subcore_parallel>], iteration_bounds = array<i64: 2, 16>, scalar_prefetch = 0 : i64, scratch_operands = 13 : i64, tpu.core_type = #tpu.core_type<sc_vector_subcore>, window_params = [{transform_indices = #map}, {transform_indices = #map1}, {transform_indices = #map1}, {transform_indices = #map}, {transform_indices = #map2}]} {
    %mul3A = arith.constant 2 : i32
    %mul3A_0 = arith.muli %arg1, %mul3A : i32
    %add3A = arith.addi %mul3A_0, %arg0 : i32
    %mul3A_1 = arith.constant 632 : i32
    %mul3A_2 = arith.muli %arg1, %mul3A_1 : i32
    %mul3A_3 = arith.constant 10032 : i32
    %mul3A_4 = arith.muli %add3A, %mul3A_3 : i32
    "tpu.region"() ({
      %run_scoped3A = tpu.sem_alloc : memref<!tpu.dma_semaphore, #tpu.memory_space<semaphore_mem>>
      %dma_start3A_17 = tpu.memref_slice %arg3[%mul3A_4] : memref<321024xi32, #tpu.memory_space<hbm>> -> memref<88xi32, #tpu.memory_space<hbm>>
      %dma_start3A_18 = tpu.memref_slice %arg3[%mul3A_4] : memref<321024xi32, #tpu.memory_space<hbm>> -> memref<88xi32, #tpu.memory_space<hbm>>
      tpu.enqueue_dma source(%dma_start3A_18 : memref<88xi32, #tpu.memory_space<hbm>>) target(%arg7 : memref<88xi32, #tpu.memory_space<vmem>>) target_semaphore(%run_scoped3A : memref<!tpu.dma_semaphore, #tpu.memory_space<semaphore_mem>>)
      %dma_wait3A = tpu.memref_slice %arg3[%mul3A_4] : memref<321024xi32, #tpu.memory_space<hbm>> -> memref<88xi32, #tpu.memory_space<hbm>>
      %dma_wait3A_19 = tpu.memref_slice %arg3[%mul3A_4] : memref<321024xi32, #tpu.memory_space<hbm>> -> memref<88xi32, #tpu.memory_space<hbm>>
      tpu.wait_dma2 semaphore(%run_scoped3A : memref<!tpu.dma_semaphore, #tpu.memory_space<semaphore_mem>>) src(%dma_wait3A_19 : memref<88xi32, #tpu.memory_space<hbm>>) dst(%arg7 : memref<88xi32, #tpu.memory_space<vmem>>)
      tpu.yield
    }) : () -> ()
    %dma_start3A = arith.constant 0 : i32
    %dma_start3A_5 = arith.constant 0 : i32
    %dma_start3A_6 = tpu.memref_slice %arg2[%dma_start3A, %dma_start3A_5] : memref<10000x128xf32, #tpu.memory_space<hbm>> -> memref<10000x128xf32, #tpu.memory_space<hbm>>
    tpu.enqueue_indirect_dma source(%dma_start3A_6 : memref<10000x128xf32, #tpu.memory_space<hbm>>) target(%arg11 : memref<88x128xf32, #tpu.memory_space<vmem>>) offsets(%arg7 : memref<88xi32, #tpu.memory_space<vmem>>) semaphore(%arg14 : memref<!tpu.dma_semaphore, #tpu.memory_space<semaphore_mem>>)
    %add3A_7 = arith.constant 88 : i32
    %add3A_8 = arith.addi %mul3A_4, %add3A_7 : i32
    "tpu.region"() ({
      %run_scoped3A = tpu.sem_alloc : memref<!tpu.dma_semaphore, #tpu.memory_space<semaphore_mem>>
      %dma_start3A_17 = tpu.memref_slice %arg3[%add3A_8] : memref<321024xi32, #tpu.memory_space<hbm>> -> memref<88xi32, #tpu.memory_space<hbm>>
      %dma_start3A_18 = tpu.memref_slice %arg3[%add3A_8] : memref<321024xi32, #tpu.memory_space<hbm>> -> memref<88xi32, #tpu.memory_space<hbm>>
      tpu.enqueue_dma source(%dma_start3A_18 : memref<88xi32, #tpu.memory_space<hbm>>) target(%arg8 : memref<88xi32, #tpu.memory_space<vmem>>) target_semaphore(%run_scoped3A : memref<!tpu.dma_semaphore, #tpu.memory_space<semaphore_mem>>)
      %dma_wait3A = tpu.memref_slice %arg3[%add3A_8] : memref<321024xi32, #tpu.memory_space<hbm>> -> memref<88xi32, #tpu.memory_space<hbm>>
      %dma_wait3A_19 = tpu.memref_slice %arg3[%add3A_8] : memref<321024xi32, #tpu.memory_space<hbm>> -> memref<88xi32, #tpu.memory_space<hbm>>
      tpu.wait_dma2 semaphore(%run_scoped3A : memref<!tpu.dma_semaphore, #tpu.memory_space<semaphore_mem>>) src(%dma_wait3A_19 : memref<88xi32, #tpu.memory_space<hbm>>) dst(%arg8 : memref<88xi32, #tpu.memory_space<vmem>>)
      tpu.yield
    }) : () -> ()
    %dma_start3A_9 = tpu.memref_slice %arg4[%mul3A_4] : memref<321024xi32, #tpu.memory_space<hbm>> -> memref<88xi32, #tpu.memory_space<hbm>>
    %dma_start3A_10 = tpu.memref_slice %arg4[%mul3A_4] : memref<321024xi32, #tpu.memory_space<hbm>> -> memref<88xi32, #tpu.memory_space<hbm>>
    tpu.enqueue_dma source(%dma_start3A_10 : memref<88xi32, #tpu.memory_space<hbm>>) target(%arg9 : memref<88xi32, #tpu.memory_space<vmem>>) target_semaphore(%arg18 : memref<!tpu.dma_semaphore, #tpu.memory_space<semaphore_mem>>)
    "tpu.region"() ({
      %run_scoped3A = tpu.sem_alloc : memref<!tpu.dma_semaphore, #tpu.memory_space<semaphore_mem>>
      %dma_start3A_17 = arith.constant 0 : i32
      %dma_start3A_18 = tpu.memref_slice %arg13[%mul3A_2, %dma_start3A_17] : memref<10112x128xf32, #tpu.memory_space<vmem_shared>> -> memref<632x128xf32, #tpu.memory_space<vmem_shared>>
      %dma_start3A_19 = arith.constant 0 : i32
      %dma_start3A_20 = tpu.memref_slice %arg5[%mul3A_2, %dma_start3A_19] : memref<10112x128xf32, #tpu.memory_space<hbm>> -> memref<632x128xf32, #tpu.memory_space<hbm>>
      tpu.enqueue_dma source(%dma_start3A_20 : memref<632x128xf32, #tpu.memory_space<hbm>>) target(%dma_start3A_18 : memref<632x128xf32, #tpu.memory_space<vmem_shared>>) target_semaphore(%run_scoped3A : memref<!tpu.dma_semaphore, #tpu.memory_space<semaphore_mem>>)
      %dma_wait3A = arith.constant 0 : i32
      %dma_wait3A_21 = tpu.memref_slice %arg13[%mul3A_2, %dma_wait3A] : memref<10112x128xf32, #tpu.memory_space<vmem_shared>> -> memref<632x128xf32, #tpu.memory_space<vmem_shared>>
      %dma_wait3A_22 = arith.constant 0 : i32
      %dma_wait3A_23 = tpu.memref_slice %arg5[%mul3A_2, %dma_wait3A_22] : memref<10112x128xf32, #tpu.memory_space<hbm>> -> memref<632x128xf32, #tpu.memory_space<hbm>>
      tpu.wait_dma2 semaphore(%run_scoped3A : memref<!tpu.dma_semaphore, #tpu.memory_space<semaphore_mem>>) src(%dma_wait3A_23 : memref<632x128xf32, #tpu.memory_space<hbm>>) dst(%dma_wait3A_21 : memref<632x128xf32, #tpu.memory_space<vmem_shared>>)
      tpu.yield
    }) : () -> ()
    %barrier3A = arith.constant 0 : index
    tpu.barrier barrier_id(%barrier3A)
    %scan3A = arith.constant 0 : i32
    %scan3A_11 = arith.constant 0 : i32
    %scan3A_12 = arith.constant 57 : i32
    %scan3A_13 = arith.addi %scan3A_11, %scan3A_12 : i32
    %scan3A_14 = arith.constant 1 : i32
    scf.for %scan3A_17 = %scan3A_11 to %scan3A_13 step %scan3A_14  : i32 {
      %mul3A_18 = arith.constant 2 : i32
      %mul3A_19 = arith.muli %mul3A_18, %scan3A_17 : i32
      %add3A_20 = arith.constant 1 : i32
      %add3A_21 = arith.addi %mul3A_19, %add3A_20 : i32
      %dma_wait3A = arith.constant 0 : i32
      %dma_wait3A_22 = arith.constant 0 : i32
      %dma_wait3A_23 = tpu.memref_slice %arg2[%dma_wait3A, %dma_wait3A_22] : memref<10000x128xf32, #tpu.memory_space<hbm>> -> memref<10000x128xf32, #tpu.memory_space<hbm>>
      tpu.wait_indirect_dma semaphore(%arg14 : memref<!tpu.dma_semaphore, #tpu.memory_space<semaphore_mem>>) src(%dma_wait3A_23 : memref<10000x128xf32, #tpu.memory_space<hbm>>) dst(%arg11 : memref<88x128xf32, #tpu.memory_space<vmem>>)
      %dma_start3A_24 = arith.constant 0 : i32
      %dma_start3A_25 = arith.constant 0 : i32
      %dma_start3A_26 = tpu.memref_slice %arg2[%dma_start3A_24, %dma_start3A_25] : memref<10000x128xf32, #tpu.memory_space<hbm>> -> memref<10000x128xf32, #tpu.memory_space<hbm>>
      tpu.enqueue_indirect_dma source(%dma_start3A_26 : memref<10000x128xf32, #tpu.memory_space<hbm>>) target(%arg12 : memref<88x128xf32, #tpu.memory_space<vmem>>) offsets(%arg8 : memref<88xi32, #tpu.memory_space<vmem>>) semaphore(%arg15 : memref<!tpu.dma_semaphore, #tpu.memory_space<semaphore_mem>>)
      %add3A_27 = arith.constant 2 : i32
      %add3A_28 = arith.addi %mul3A_19, %add3A_27 : i32
      %lt3A = arith.constant 114 : i32
      %lt3A_29 = arith.cmpi slt, %add3A_28, %lt3A : i32
      %convert_element_type3A = arith.extui %lt3A_29 : i1 to i32
      %cond3A = arith.constant 0 : i32
      %cond3A_30 = arith.cmpi ne, %convert_element_type3A, %cond3A : i32
      scf.if %cond3A_30 {
        %add3A_77 = arith.constant 2 : i32
        %add3A_78 = arith.addi %mul3A_19, %add3A_77 : i32
        %mul3A_79 = arith.constant 88 : i32
        %mul3A_80 = arith.muli %add3A_78, %mul3A_79 : i32
        %add3A_81 = arith.addi %mul3A_4, %mul3A_80 : i32
        %dma_start3A_82 = tpu.memref_slice %arg3[%add3A_81] : memref<321024xi32, #tpu.memory_space<hbm>> -> memref<88xi32, #tpu.memory_space<hbm>>
        %dma_start3A_83 = tpu.memref_slice %arg3[%add3A_81] : memref<321024xi32, #tpu.memory_space<hbm>> -> memref<88xi32, #tpu.memory_space<hbm>>
        tpu.enqueue_dma source(%dma_start3A_83 : memref<88xi32, #tpu.memory_space<hbm>>) target(%arg7 : memref<88xi32, #tpu.memory_space<vmem>>) target_semaphore(%arg16 : memref<!tpu.dma_semaphore, #tpu.memory_space<semaphore_mem>>)
      } else {
      }
      %mul3A_31 = arith.constant 88 : i32
      %mul3A_32 = arith.muli %mul3A_19, %mul3A_31 : i32
      %add3A_33 = arith.addi %mul3A_4, %mul3A_32 : i32
      %dma_wait3A_34 = tpu.memref_slice %arg4[%add3A_33] : memref<321024xi32, #tpu.memory_space<hbm>> -> memref<88xi32, #tpu.memory_space<hbm>>
      %dma_wait3A_35 = tpu.memref_slice %arg4[%add3A_33] : memref<321024xi32, #tpu.memory_space<hbm>> -> memref<88xi32, #tpu.memory_space<hbm>>
      tpu.wait_dma2 semaphore(%arg18 : memref<!tpu.dma_semaphore, #tpu.memory_space<semaphore_mem>>) src(%dma_wait3A_35 : memref<88xi32, #tpu.memory_space<hbm>>) dst(%arg9 : memref<88xi32, #tpu.memory_space<vmem>>)
      %mul3A_36 = arith.constant 88 : i32
      %mul3A_37 = arith.muli %add3A_21, %mul3A_36 : i32
      %add3A_38 = arith.addi %mul3A_4, %mul3A_37 : i32
      %dma_start3A_39 = tpu.memref_slice %arg4[%add3A_38] : memref<321024xi32, #tpu.memory_space<hbm>> -> memref<88xi32, #tpu.memory_space<hbm>>
      %dma_start3A_40 = tpu.memref_slice %arg4[%add3A_38] : memref<321024xi32, #tpu.memory_space<hbm>> -> memref<88xi32, #tpu.memory_space<hbm>>
      tpu.enqueue_dma source(%dma_start3A_40 : memref<88xi32, #tpu.memory_space<hbm>>) target(%arg10 : memref<88xi32, #tpu.memory_space<vmem>>) target_semaphore(%arg19 : memref<!tpu.dma_semaphore, #tpu.memory_space<semaphore_mem>>)
      "tpu.region"() ({
        %run_scoped3A = tpu.sem_alloc : memref<!tpu.dma_semaphore, #tpu.memory_space<semaphore_mem>>
        %dma_start3A_77 = arith.constant 0 : i32
        %dma_start3A_78 = arith.constant 0 : i32
        %dma_start3A_79 = tpu.memref_slice %arg13[%dma_start3A_77, %dma_start3A_78] : memref<10112x128xf32, #tpu.memory_space<vmem_shared>> -> memref<10112x128xf32, #tpu.memory_space<vmem_shared>>
        tpu.enqueue_indirect_dma source(%arg11 : memref<88x128xf32, #tpu.memory_space<vmem>>) target(%dma_start3A_79 : memref<10112x128xf32, #tpu.memory_space<vmem_shared>>) offsets(%arg9 : memref<88xi32, #tpu.memory_space<vmem>>) semaphore(%run_scoped3A : memref<!tpu.dma_semaphore, #tpu.memory_space<semaphore_mem>>) {add = true}
        %dma_wait3A_80 = arith.constant 0 : i32
        %dma_wait3A_81 = arith.constant 0 : i32
        %dma_wait3A_82 = tpu.memref_slice %arg13[%dma_wait3A_80, %dma_wait3A_81] : memref<10112x128xf32, #tpu.memory_space<vmem_shared>> -> memref<10112x128xf32, #tpu.memory_space<vmem_shared>>
        tpu.wait_indirect_dma semaphore(%run_scoped3A : memref<!tpu.dma_semaphore, #tpu.memory_space<semaphore_mem>>) src(%arg11 : memref<88x128xf32, #tpu.memory_space<vmem>>) dst(%dma_wait3A_82 : memref<10112x128xf32, #tpu.memory_space<vmem_shared>>)
        tpu.yield
      }) : () -> ()
      %dma_wait3A_41 = arith.constant 0 : i32
      %dma_wait3A_42 = arith.constant 0 : i32
      %dma_wait3A_43 = tpu.memref_slice %arg2[%dma_wait3A_41, %dma_wait3A_42] : memref<10000x128xf32, #tpu.memory_space<hbm>> -> memref<10000x128xf32, #tpu.memory_space<hbm>>
      tpu.wait_indirect_dma semaphore(%arg15 : memref<!tpu.dma_semaphore, #tpu.memory_space<semaphore_mem>>) src(%dma_wait3A_43 : memref<10000x128xf32, #tpu.memory_space<hbm>>) dst(%arg12 : memref<88x128xf32, #tpu.memory_space<vmem>>)
      %add3A_44 = arith.constant 2 : i32
      %add3A_45 = arith.addi %mul3A_19, %add3A_44 : i32
      %lt3A_46 = arith.constant 114 : i32
      %lt3A_47 = arith.cmpi slt, %add3A_45, %lt3A_46 : i32
      %convert_element_type3A_48 = arith.extui %lt3A_47 : i1 to i32
      %cond3A_49 = arith.constant 0 : i32
      %cond3A_50 = arith.cmpi ne, %convert_element_type3A_48, %cond3A_49 : i32
      scf.if %cond3A_50 {
        %add3A_77 = arith.constant 2 : i32
        %add3A_78 = arith.addi %mul3A_19, %add3A_77 : i32
        %mul3A_79 = arith.constant 88 : i32
        %mul3A_80 = arith.muli %add3A_78, %mul3A_79 : i32
        %add3A_81 = arith.addi %mul3A_4, %mul3A_80 : i32
        %dma_wait3A_82 = tpu.memref_slice %arg3[%add3A_81] : memref<321024xi32, #tpu.memory_space<hbm>> -> memref<88xi32, #tpu.memory_space<hbm>>
        %dma_wait3A_83 = tpu.memref_slice %arg3[%add3A_81] : memref<321024xi32, #tpu.memory_space<hbm>> -> memref<88xi32, #tpu.memory_space<hbm>>
        tpu.wait_dma2 semaphore(%arg16 : memref<!tpu.dma_semaphore, #tpu.memory_space<semaphore_mem>>) src(%dma_wait3A_83 : memref<88xi32, #tpu.memory_space<hbm>>) dst(%arg7 : memref<88xi32, #tpu.memory_space<vmem>>)
        %dma_start3A_84 = arith.constant 0 : i32
        %dma_start3A_85 = arith.constant 0 : i32
        %dma_start3A_86 = tpu.memref_slice %arg2[%dma_start3A_84, %dma_start3A_85] : memref<10000x128xf32, #tpu.memory_space<hbm>> -> memref<10000x128xf32, #tpu.memory_space<hbm>>
        tpu.enqueue_indirect_dma source(%dma_start3A_86 : memref<10000x128xf32, #tpu.memory_space<hbm>>) target(%arg11 : memref<88x128xf32, #tpu.memory_space<vmem>>) offsets(%arg7 : memref<88xi32, #tpu.memory_space<vmem>>) semaphore(%arg14 : memref<!tpu.dma_semaphore, #tpu.memory_space<semaphore_mem>>)
      } else {
      }
      %add3A_51 = arith.constant 3 : i32
      %add3A_52 = arith.addi %mul3A_19, %add3A_51 : i32
      %lt3A_53 = arith.constant 114 : i32
      %lt3A_54 = arith.cmpi slt, %add3A_52, %lt3A_53 : i32
      %convert_element_type3A_55 = arith.extui %lt3A_54 : i1 to i32
      %cond3A_56 = arith.constant 0 : i32
      %cond3A_57 = arith.cmpi ne, %convert_element_type3A_55, %cond3A_56 : i32
      scf.if %cond3A_57 {
        %add3A_77 = arith.constant 3 : i32
        %add3A_78 = arith.addi %mul3A_19, %add3A_77 : i32
        %mul3A_79 = arith.constant 88 : i32
        %mul3A_80 = arith.muli %add3A_78, %mul3A_79 : i32
        %add3A_81 = arith.addi %mul3A_4, %mul3A_80 : i32
        %dma_start3A_82 = tpu.memref_slice %arg3[%add3A_81] : memref<321024xi32, #tpu.memory_space<hbm>> -> memref<88xi32, #tpu.memory_space<hbm>>
        %dma_start3A_83 = tpu.memref_slice %arg3[%add3A_81] : memref<321024xi32, #tpu.memory_space<hbm>> -> memref<88xi32, #tpu.memory_space<hbm>>
        tpu.enqueue_dma source(%dma_start3A_83 : memref<88xi32, #tpu.memory_space<hbm>>) target(%arg8 : memref<88xi32, #tpu.memory_space<vmem>>) target_semaphore(%arg17 : memref<!tpu.dma_semaphore, #tpu.memory_space<semaphore_mem>>)
      } else {
      }
      %mul3A_58 = arith.constant 88 : i32
      %mul3A_59 = arith.muli %add3A_21, %mul3A_58 : i32
      %add3A_60 = arith.addi %mul3A_4, %mul3A_59 : i32
      %dma_wait3A_61 = tpu.memref_slice %arg4[%add3A_60] : memref<321024xi32, #tpu.memory_space<hbm>> -> memref<88xi32, #tpu.memory_space<hbm>>
      %dma_wait3A_62 = tpu.memref_slice %arg4[%add3A_60] : memref<321024xi32, #tpu.memory_space<hbm>> -> memref<88xi32, #tpu.memory_space<hbm>>
      tpu.wait_dma2 semaphore(%arg19 : memref<!tpu.dma_semaphore, #tpu.memory_space<semaphore_mem>>) src(%dma_wait3A_62 : memref<88xi32, #tpu.memory_space<hbm>>) dst(%arg10 : memref<88xi32, #tpu.memory_space<vmem>>)
      "tpu.region"() ({
        %run_scoped3A = tpu.sem_alloc : memref<!tpu.dma_semaphore, #tpu.memory_space<semaphore_mem>>
        %dma_start3A_77 = arith.constant 0 : i32
        %dma_start3A_78 = arith.constant 0 : i32
        %dma_start3A_79 = tpu.memref_slice %arg13[%dma_start3A_77, %dma_start3A_78] : memref<10112x128xf32, #tpu.memory_space<vmem_shared>> -> memref<10112x128xf32, #tpu.memory_space<vmem_shared>>
        tpu.enqueue_indirect_dma source(%arg12 : memref<88x128xf32, #tpu.memory_space<vmem>>) target(%dma_start3A_79 : memref<10112x128xf32, #tpu.memory_space<vmem_shared>>) offsets(%arg10 : memref<88xi32, #tpu.memory_space<vmem>>) semaphore(%run_scoped3A : memref<!tpu.dma_semaphore, #tpu.memory_space<semaphore_mem>>) {add = true}
        %dma_wait3A_80 = arith.constant 0 : i32
        %dma_wait3A_81 = arith.constant 0 : i32
        %dma_wait3A_82 = tpu.memref_slice %arg13[%dma_wait3A_80, %dma_wait3A_81] : memref<10112x128xf32, #tpu.memory_space<vmem_shared>> -> memref<10112x128xf32, #tpu.memory_space<vmem_shared>>
        tpu.wait_indirect_dma semaphore(%run_scoped3A : memref<!tpu.dma_semaphore, #tpu.memory_space<semaphore_mem>>) src(%arg12 : memref<88x128xf32, #tpu.memory_space<vmem>>) dst(%dma_wait3A_82 : memref<10112x128xf32, #tpu.memory_space<vmem_shared>>)
        tpu.yield
      }) : () -> ()
      %add3A_63 = arith.constant 3 : i32
      %add3A_64 = arith.addi %mul3A_19, %add3A_63 : i32
      %lt3A_65 = arith.constant 114 : i32
      %lt3A_66 = arith.cmpi slt, %add3A_64, %lt3A_65 : i32
      %convert_element_type3A_67 = arith.extui %lt3A_66 : i1 to i32
      %cond3A_68 = arith.constant 0 : i32
      %cond3A_69 = arith.cmpi ne, %convert_element_type3A_67, %cond3A_68 : i32
      scf.if %cond3A_69 {
        %add3A_77 = arith.constant 3 : i32
        %add3A_78 = arith.addi %mul3A_19, %add3A_77 : i32
        %mul3A_79 = arith.constant 88 : i32
        %mul3A_80 = arith.muli %add3A_78, %mul3A_79 : i32
        %add3A_81 = arith.addi %mul3A_4, %mul3A_80 : i32
        %dma_wait3A_82 = tpu.memref_slice %arg3[%add3A_81] : memref<321024xi32, #tpu.memory_space<hbm>> -> memref<88xi32, #tpu.memory_space<hbm>>
        %dma_wait3A_83 = tpu.memref_slice %arg3[%add3A_81] : memref<321024xi32, #tpu.memory_space<hbm>> -> memref<88xi32, #tpu.memory_space<hbm>>
        tpu.wait_dma2 semaphore(%arg17 : memref<!tpu.dma_semaphore, #tpu.memory_space<semaphore_mem>>) src(%dma_wait3A_83 : memref<88xi32, #tpu.memory_space<hbm>>) dst(%arg8 : memref<88xi32, #tpu.memory_space<vmem>>)
      } else {
      }
      %add3A_70 = arith.constant 2 : i32
      %add3A_71 = arith.addi %mul3A_19, %add3A_70 : i32
      %lt3A_72 = arith.constant 114 : i32
      %lt3A_73 = arith.cmpi slt, %add3A_71, %lt3A_72 : i32
      %convert_element_type3A_74 = arith.extui %lt3A_73 : i1 to i32
      %cond3A_75 = arith.constant 0 : i32
      %cond3A_76 = arith.cmpi ne, %convert_element_type3A_74, %cond3A_75 : i32
      scf.if %cond3A_76 {
        %add3A_77 = arith.constant 2 : i32
        %add3A_78 = arith.addi %mul3A_19, %add3A_77 : i32
        %mul3A_79 = arith.constant 88 : i32
        %mul3A_80 = arith.muli %add3A_78, %mul3A_79 : i32
        %add3A_81 = arith.addi %mul3A_4, %mul3A_80 : i32
        %dma_start3A_82 = tpu.memref_slice %arg4[%add3A_81] : memref<321024xi32, #tpu.memory_space<hbm>> -> memref<88xi32, #tpu.memory_space<hbm>>
        %dma_start3A_83 = tpu.memref_slice %arg4[%add3A_81] : memref<321024xi32, #tpu.memory_space<hbm>> -> memref<88xi32, #tpu.memory_space<hbm>>
        tpu.enqueue_dma source(%dma_start3A_83 : memref<88xi32, #tpu.memory_space<hbm>>) target(%arg9 : memref<88xi32, #tpu.memory_space<vmem>>) target_semaphore(%arg18 : memref<!tpu.dma_semaphore, #tpu.memory_space<semaphore_mem>>)
      } else {
      }
    }
    %scan3A_15 = arith.constant 57 : i32
    %barrier3A_16 = arith.constant 0 : index
    tpu.barrier barrier_id(%barrier3A_16)
    "tpu.region"() ({
      %run_scoped3A = tpu.sem_alloc : memref<!tpu.dma_semaphore, #tpu.memory_space<semaphore_mem>>
      %dma_start3A_17 = arith.constant 0 : i32
      %dma_start3A_18 = tpu.memref_slice %arg6[%arg0, %mul3A_2, %dma_start3A_17] : memref<2x10112x128xf32, #tpu.memory_space<hbm>> -> memref<1x632x128xf32, #tpu.memory_space<hbm>>
      %dma_start3A_19 = tpu.memref_squeeze %dma_start3A_18 : memref<1x632x128xf32, #tpu.memory_space<hbm>> -> memref<632x128xf32, #tpu.memory_space<hbm>>
      %dma_start3A_20 = arith.constant 0 : i32
      %dma_start3A_21 = tpu.memref_slice %arg13[%mul3A_2, %dma_start3A_20] : memref<10112x128xf32, #tpu.memory_space<vmem_shared>> -> memref<632x128xf32, #tpu.memory_space<vmem_shared>>
      tpu.enqueue_dma source(%dma_start3A_21 : memref<632x128xf32, #tpu.memory_space<vmem_shared>>) target(%dma_start3A_19 : memref<632x128xf32, #tpu.memory_space<hbm>>) target_semaphore(%run_scoped3A : memref<!tpu.dma_semaphore, #tpu.memory_space<semaphore_mem>>)
      %dma_wait3A = arith.constant 0 : i32
      %dma_wait3A_22 = tpu.memref_slice %arg6[%arg0, %mul3A_2, %dma_wait3A] : memref<2x10112x128xf32, #tpu.memory_space<hbm>> -> memref<1x632x128xf32, #tpu.memory_space<hbm>>
      %dma_wait3A_23 = tpu.memref_squeeze %dma_wait3A_22 : memref<1x632x128xf32, #tpu.memory_space<hbm>> -> memref<632x128xf32, #tpu.memory_space<hbm>>
      %dma_wait3A_24 = arith.constant 0 : i32
      %dma_wait3A_25 = tpu.memref_slice %arg13[%mul3A_2, %dma_wait3A_24] : memref<10112x128xf32, #tpu.memory_space<vmem_shared>> -> memref<632x128xf32, #tpu.memory_space<vmem_shared>>
      tpu.wait_dma2 semaphore(%run_scoped3A : memref<!tpu.dma_semaphore, #tpu.memory_space<semaphore_mem>>) src(%dma_wait3A_25 : memref<632x128xf32, #tpu.memory_space<vmem_shared>>) dst(%dma_wait3A_23 : memref<632x128xf32, #tpu.memory_space<hbm>>)
      tpu.yield
    }) : () -> ()
    return
  }
}

#map = affine_map<(d0, d1) -> (0)>
module attributes {stable_mosaic.version = 14 : i64} {
  func.func @_deg_kernel(%arg0: i32, %arg1: i32, %arg2: memref<320000xi32, #tpu.memory_space<hbm>>, %arg3: memref<320000xf32, #tpu.memory_space<hbm>>, %arg4: memref<10000xf32, #tpu.memory_space<vmem>>, %arg5: memref<2000xi32, #tpu.memory_space<vmem>>) attributes {dimension_semantics = [#tpu.dimension_semantics<core_parallel>, #tpu.dimension_semantics<subcore_parallel>], iteration_bounds = array<i64: 2, 16>, scalar_prefetch = 0 : i64, scratch_operands = 2 : i64, tpu.core_type = #tpu.core_type<sc_vector_subcore>, window_params = [{transform_indices = #map}, {transform_indices = #map}]} {
    %mul3A = arith.constant 2 : i32
    %mul3A_0 = arith.muli %arg1, %mul3A : i32
    %add3A = arith.addi %mul3A_0, %arg0 : i32
    %broadcast_in_dim3A = arith.constant 0.000000e+00 : f32
    %broadcast_in_dim3A_1 = vector.broadcast %broadcast_in_dim3A : f32 to vector<16xf32>
    %broadcast_in_dim3A_2 = arith.constant 1.000000e+00 : f32
    %broadcast_in_dim3A_3 = vector.broadcast %broadcast_in_dim3A_2 : f32 to vector<16xf32>
    %scan3A = arith.constant 0 : i32
    %scan3A_4 = arith.constant 0 : i32
    %scan3A_5 = arith.constant 625 : i32
    %scan3A_6 = arith.addi %scan3A_4, %scan3A_5 : i32
    %scan3A_7 = arith.constant 1 : i32
    scf.for %scan3A_17 = %scan3A_4 to %scan3A_6 step %scan3A_7  : i32 {
      %mul3A_18 = arith.constant 16 : i32
      %mul3A_19 = arith.muli %scan3A_17, %mul3A_18 : i32
      %swap3A = arith.index_cast %mul3A_19 : i32 to index
      %swap3A_20 = tpu.vector_load %arg4[%swap3A] {strides = array<i32>} : memref<10000xf32, #tpu.memory_space<vmem>>, vector<16xf32>,
      tpu.vector_store %arg4[%swap3A], %broadcast_in_dim3A_1 {strides = array<i32>} : memref<10000xf32, #tpu.memory_space<vmem>>, vector<16xf32>,
    }
    %scan3A_8 = arith.constant 625 : i32
    %scan3A_9 = arith.constant 0 : i32
    %scan3A_10 = arith.constant 0 : i32
    %scan3A_11 = arith.constant 5 : i32
    %scan3A_12 = arith.addi %scan3A_10, %scan3A_11 : i32
    %scan3A_13 = arith.constant 1 : i32
    scf.for %scan3A_17 = %scan3A_10 to %scan3A_12 step %scan3A_13  : i32 {
      %mul3A_18 = arith.constant 10000 : i32
      %mul3A_19 = arith.muli %add3A, %mul3A_18 : i32
      %mul3A_20 = arith.constant 2000 : i32
      %mul3A_21 = arith.muli %scan3A_17, %mul3A_20 : i32
      %add3A_22 = arith.addi %mul3A_19, %mul3A_21 : i32
      "tpu.region"() ({
        %run_scoped3A = tpu.sem_alloc : memref<!tpu.dma_semaphore, #tpu.memory_space<semaphore_mem>>
        %dma_start3A = tpu.memref_slice %arg2[%add3A_22] : memref<320000xi32, #tpu.memory_space<hbm>> -> memref<2000xi32, #tpu.memory_space<hbm>>
        %dma_start3A_29 = tpu.memref_slice %arg2[%add3A_22] : memref<320000xi32, #tpu.memory_space<hbm>> -> memref<2000xi32, #tpu.memory_space<hbm>>
        tpu.enqueue_dma source(%dma_start3A_29 : memref<2000xi32, #tpu.memory_space<hbm>>) target(%arg5 : memref<2000xi32, #tpu.memory_space<vmem>>) target_semaphore(%run_scoped3A : memref<!tpu.dma_semaphore, #tpu.memory_space<semaphore_mem>>)
        %dma_wait3A = tpu.memref_slice %arg2[%add3A_22] : memref<320000xi32, #tpu.memory_space<hbm>> -> memref<2000xi32, #tpu.memory_space<hbm>>
        %dma_wait3A_30 = tpu.memref_slice %arg2[%add3A_22] : memref<320000xi32, #tpu.memory_space<hbm>> -> memref<2000xi32, #tpu.memory_space<hbm>>
        tpu.wait_dma2 semaphore(%run_scoped3A : memref<!tpu.dma_semaphore, #tpu.memory_space<semaphore_mem>>) src(%dma_wait3A_30 : memref<2000xi32, #tpu.memory_space<hbm>>) dst(%arg5 : memref<2000xi32, #tpu.memory_space<vmem>>)
        tpu.yield
      }) : () -> ()
      %scan3A_23 = arith.constant 0 : i32
      %scan3A_24 = arith.constant 0 : i32
      %scan3A_25 = arith.constant 125 : i32
      %scan3A_26 = arith.addi %scan3A_24, %scan3A_25 : i32
      %scan3A_27 = arith.constant 1 : i32
      scf.for %scan3A_29 = %scan3A_24 to %scan3A_26 step %scan3A_27  : i32 {
        %mul3A_30 = arith.constant 16 : i32
        %mul3A_31 = arith.muli %scan3A_29, %mul3A_30 : i32
        %get3A = arith.index_cast %mul3A_31 : i32 to index
        %get3A_32 = tpu.vector_load %arg5[%get3A] {strides = array<i32>} : memref<2000xi32, #tpu.memory_space<vmem>>, vector<16xi32>,
        tpu.vector_store_idx %arg4[%get3A_32], %broadcast_in_dim3A_3 {add = true} : memref<10000xf32, #tpu.memory_space<vmem>>[vector<16xi32>], vector<16xf32>,
      }
      %scan3A_28 = arith.constant 125 : i32
    }
    %scan3A_14 = arith.constant 5 : i32
    %mul3A_15 = arith.constant 10000 : i32
    %mul3A_16 = arith.muli %add3A, %mul3A_15 : i32
    "tpu.region"() ({
      %run_scoped3A = tpu.sem_alloc : memref<!tpu.dma_semaphore, #tpu.memory_space<semaphore_mem>>
      %dma_start3A = tpu.memref_slice %arg3[%mul3A_16] : memref<320000xf32, #tpu.memory_space<hbm>> -> memref<10000xf32, #tpu.memory_space<hbm>>
      %dma_start3A_17 = tpu.memref_slice %arg3[%mul3A_16] : memref<320000xf32, #tpu.memory_space<hbm>> -> memref<10000xf32, #tpu.memory_space<hbm>>
      tpu.enqueue_dma source(%arg4 : memref<10000xf32, #tpu.memory_space<vmem>>) target(%dma_start3A_17 : memref<10000xf32, #tpu.memory_space<hbm>>) target_semaphore(%run_scoped3A : memref<!tpu.dma_semaphore, #tpu.memory_space<semaphore_mem>>)
      %dma_wait3A = tpu.memref_slice %arg3[%mul3A_16] : memref<320000xf32, #tpu.memory_space<hbm>> -> memref<10000xf32, #tpu.memory_space<hbm>>
      %dma_wait3A_18 = tpu.memref_slice %arg3[%mul3A_16] : memref<320000xf32, #tpu.memory_space<hbm>> -> memref<10000xf32, #tpu.memory_space<hbm>>
      tpu.wait_dma2 semaphore(%run_scoped3A : memref<!tpu.dma_semaphore, #tpu.memory_space<semaphore_mem>>) src(%arg4 : memref<10000xf32, #tpu.memory_space<vmem>>) dst(%dma_wait3A_18 : memref<10000xf32, #tpu.memory_space<hbm>>)
      tpu.yield
    }) : () -> ()
    return
  }
}

#map = affine_map<(d0, d1) -> (0, 0)>
#map1 = affine_map<(d0, d1) -> (0)>
#map2 = affine_map<(d0, d1) -> (0, 0, 0)>
module attributes {stable_mosaic.version = 14 : i64} {
  func.func @_edge_kernel(%arg0: i32, %arg1: i32, %arg2: memref<10000x128xf32, #tpu.memory_space<hbm>>, %arg3: memref<321024xi32, #tpu.memory_space<hbm>>, %arg4: memref<321024xi32, #tpu.memory_space<hbm>>, %arg5: memref<10112x128xf32, #tpu.memory_space<hbm>>, %arg6: memref<2x10112x128xf32, #tpu.memory_space<hbm>>, %arg7: memref<88xi32, #tpu.memory_space<vmem>>, %arg8: memref<88xi32, #tpu.memory_space<vmem>>, %arg9: memref<88xi32, #tpu.memory_space<vmem>>, %arg10: memref<88xi32, #tpu.memory_space<vmem>>, %arg11: memref<88x128xf32, #tpu.memory_space<vmem>>, %arg12: memref<88x128xf32, #tpu.memory_space<vmem>>, %arg13: memref<10112x128xf32, #tpu.memory_space<vmem_shared>>, %arg14: memref<!tpu.dma_semaphore, #tpu.memory_space<semaphore_mem>>, %arg15: memref<!tpu.dma_semaphore, #tpu.memory_space<semaphore_mem>>, %arg16: memref<!tpu.dma_semaphore, #tpu.memory_space<semaphore_mem>>, %arg17: memref<!tpu.dma_semaphore, #tpu.memory_space<semaphore_mem>>, %arg18: memref<!tpu.dma_semaphore, #tpu.memory_space<semaphore_mem>>, %arg19: memref<!tpu.dma_semaphore, #tpu.memory_space<semaphore_mem>>) attributes {dimension_semantics = [#tpu.dimension_semantics<core_parallel>, #tpu.dimension_semantics<subcore_parallel>], iteration_bounds = array<i64: 2, 16>, scalar_prefetch = 0 : i64, scratch_operands = 13 : i64, tpu.core_type = #tpu.core_type<sc_vector_subcore>, window_params = [{transform_indices = #map}, {transform_indices = #map1}, {transform_indices = #map1}, {transform_indices = #map}, {transform_indices = #map2}]} {
    %mul3A = arith.constant 2 : i32
    %mul3A_0 = arith.muli %arg1, %mul3A : i32
    %add3A = arith.addi %mul3A_0, %arg0 : i32
    %mul3A_1 = arith.constant 632 : i32
    %mul3A_2 = arith.muli %arg1, %mul3A_1 : i32
    %mul3A_3 = arith.constant 10032 : i32
    %mul3A_4 = arith.muli %add3A, %mul3A_3 : i32
    "tpu.region"() ({
      %run_scoped3A = tpu.sem_alloc : memref<!tpu.dma_semaphore, #tpu.memory_space<semaphore_mem>>
      %dma_start3A_17 = tpu.memref_slice %arg3[%mul3A_4] : memref<321024xi32, #tpu.memory_space<hbm>> -> memref<88xi32, #tpu.memory_space<hbm>>
      %dma_start3A_18 = tpu.memref_slice %arg3[%mul3A_4] : memref<321024xi32, #tpu.memory_space<hbm>> -> memref<88xi32, #tpu.memory_space<hbm>>
      tpu.enqueue_dma source(%dma_start3A_18 : memref<88xi32, #tpu.memory_space<hbm>>) target(%arg7 : memref<88xi32, #tpu.memory_space<vmem>>) target_semaphore(%run_scoped3A : memref<!tpu.dma_semaphore, #tpu.memory_space<semaphore_mem>>)
      %dma_wait3A = tpu.memref_slice %arg3[%mul3A_4] : memref<321024xi32, #tpu.memory_space<hbm>> -> memref<88xi32, #tpu.memory_space<hbm>>
      %dma_wait3A_19 = tpu.memref_slice %arg3[%mul3A_4] : memref<321024xi32, #tpu.memory_space<hbm>> -> memref<88xi32, #tpu.memory_space<hbm>>
      tpu.wait_dma2 semaphore(%run_scoped3A : memref<!tpu.dma_semaphore, #tpu.memory_space<semaphore_mem>>) src(%dma_wait3A_19 : memref<88xi32, #tpu.memory_space<hbm>>) dst(%arg7 : memref<88xi32, #tpu.memory_space<vmem>>)
      tpu.yield
    }) : () -> ()
    %dma_start3A = arith.constant 0 : i32
    %dma_start3A_5 = arith.constant 0 : i32
    %dma_start3A_6 = tpu.memref_slice %arg2[%dma_start3A, %dma_start3A_5] : memref<10000x128xf32, #tpu.memory_space<hbm>> -> memref<10000x128xf32, #tpu.memory_space<hbm>>
    tpu.enqueue_indirect_dma source(%dma_start3A_6 : memref<10000x128xf32, #tpu.memory_space<hbm>>) target(%arg11 : memref<88x128xf32, #tpu.memory_space<vmem>>) offsets(%arg7 : memref<88xi32, #tpu.memory_space<vmem>>) semaphore(%arg14 : memref<!tpu.dma_semaphore, #tpu.memory_space<semaphore_mem>>)
    %add3A_7 = arith.constant 88 : i32
    %add3A_8 = arith.addi %mul3A_4, %add3A_7 : i32
    "tpu.region"() ({
      %run_scoped3A = tpu.sem_alloc : memref<!tpu.dma_semaphore, #tpu.memory_space<semaphore_mem>>
      %dma_start3A_17 = tpu.memref_slice %arg3[%add3A_8] : memref<321024xi32, #tpu.memory_space<hbm>> -> memref<88xi32, #tpu.memory_space<hbm>>
      %dma_start3A_18 = tpu.memref_slice %arg3[%add3A_8] : memref<321024xi32, #tpu.memory_space<hbm>> -> memref<88xi32, #tpu.memory_space<hbm>>
      tpu.enqueue_dma source(%dma_start3A_18 : memref<88xi32, #tpu.memory_space<hbm>>) target(%arg8 : memref<88xi32, #tpu.memory_space<vmem>>) target_semaphore(%run_scoped3A : memref<!tpu.dma_semaphore, #tpu.memory_space<semaphore_mem>>)
      %dma_wait3A = tpu.memref_slice %arg3[%add3A_8] : memref<321024xi32, #tpu.memory_space<hbm>> -> memref<88xi32, #tpu.memory_space<hbm>>
      %dma_wait3A_19 = tpu.memref_slice %arg3[%add3A_8] : memref<321024xi32, #tpu.memory_space<hbm>> -> memref<88xi32, #tpu.memory_space<hbm>>
      tpu.wait_dma2 semaphore(%run_scoped3A : memref<!tpu.dma_semaphore, #tpu.memory_space<semaphore_mem>>) src(%dma_wait3A_19 : memref<88xi32, #tpu.memory_space<hbm>>) dst(%arg8 : memref<88xi32, #tpu.memory_space<vmem>>)
      tpu.yield
    }) : () -> ()
    %dma_start3A_9 = tpu.memref_slice %arg4[%mul3A_4] : memref<321024xi32, #tpu.memory_space<hbm>> -> memref<88xi32, #tpu.memory_space<hbm>>
    %dma_start3A_10 = tpu.memref_slice %arg4[%mul3A_4] : memref<321024xi32, #tpu.memory_space<hbm>> -> memref<88xi32, #tpu.memory_space<hbm>>
    tpu.enqueue_dma source(%dma_start3A_10 : memref<88xi32, #tpu.memory_space<hbm>>) target(%arg9 : memref<88xi32, #tpu.memory_space<vmem>>) target_semaphore(%arg18 : memref<!tpu.dma_semaphore, #tpu.memory_space<semaphore_mem>>)
    "tpu.region"() ({
      %run_scoped3A = tpu.sem_alloc : memref<!tpu.dma_semaphore, #tpu.memory_space<semaphore_mem>>
      %dma_start3A_17 = arith.constant 0 : i32
      %dma_start3A_18 = tpu.memref_slice %arg13[%mul3A_2, %dma_start3A_17] : memref<10112x128xf32, #tpu.memory_space<vmem_shared>> -> memref<632x128xf32, #tpu.memory_space<vmem_shared>>
      %dma_start3A_19 = arith.constant 0 : i32
      %dma_start3A_20 = tpu.memref_slice %arg5[%mul3A_2, %dma_start3A_19] : memref<10112x128xf32, #tpu.memory_space<hbm>> -> memref<632x128xf32, #tpu.memory_space<hbm>>
      tpu.enqueue_dma source(%dma_start3A_20 : memref<632x128xf32, #tpu.memory_space<hbm>>) target(%dma_start3A_18 : memref<632x128xf32, #tpu.memory_space<vmem_shared>>) target_semaphore(%run_scoped3A : memref<!tpu.dma_semaphore, #tpu.memory_space<semaphore_mem>>)
      %dma_wait3A = arith.constant 0 : i32
      %dma_wait3A_21 = tpu.memref_slice %arg13[%mul3A_2, %dma_wait3A] : memref<10112x128xf32, #tpu.memory_space<vmem_shared>> -> memref<632x128xf32, #tpu.memory_space<vmem_shared>>
      %dma_wait3A_22 = arith.constant 0 : i32
      %dma_wait3A_23 = tpu.memref_slice %arg5[%mul3A_2, %dma_wait3A_22] : memref<10112x128xf32, #tpu.memory_space<hbm>> -> memref<632x128xf32, #tpu.memory_space<hbm>>
      tpu.wait_dma2 semaphore(%run_scoped3A : memref<!tpu.dma_semaphore, #tpu.memory_space<semaphore_mem>>) src(%dma_wait3A_23 : memref<632x128xf32, #tpu.memory_space<hbm>>) dst(%dma_wait3A_21 : memref<632x128xf32, #tpu.memory_space<vmem_shared>>)
      tpu.yield
    }) : () -> ()
    %barrier3A = arith.constant 0 : index
    tpu.barrier barrier_id(%barrier3A)
    %scan3A = arith.constant 0 : i32
    %scan3A_11 = arith.constant 0 : i32
    %scan3A_12 = arith.constant 57 : i32
    %scan3A_13 = arith.addi %scan3A_11, %scan3A_12 : i32
    %scan3A_14 = arith.constant 1 : i32
    scf.for %scan3A_17 = %scan3A_11 to %scan3A_13 step %scan3A_14  : i32 {
      %mul3A_18 = arith.constant 2 : i32
      %mul3A_19 = arith.muli %mul3A_18, %scan3A_17 : i32
      %add3A_20 = arith.constant 1 : i32
      %add3A_21 = arith.addi %mul3A_19, %add3A_20 : i32
      %dma_wait3A = arith.constant 0 : i32
      %dma_wait3A_22 = arith.constant 0 : i32
      %dma_wait3A_23 = tpu.memref_slice %arg2[%dma_wait3A, %dma_wait3A_22] : memref<10000x128xf32, #tpu.memory_space<hbm>> -> memref<10000x128xf32, #tpu.memory_space<hbm>>
      tpu.wait_indirect_dma semaphore(%arg14 : memref<!tpu.dma_semaphore, #tpu.memory_space<semaphore_mem>>) src(%dma_wait3A_23 : memref<10000x128xf32, #tpu.memory_space<hbm>>) dst(%arg11 : memref<88x128xf32, #tpu.memory_space<vmem>>)
      %dma_start3A_24 = arith.constant 0 : i32
      %dma_start3A_25 = arith.constant 0 : i32
      %dma_start3A_26 = tpu.memref_slice %arg2[%dma_start3A_24, %dma_start3A_25] : memref<10000x128xf32, #tpu.memory_space<hbm>> -> memref<10000x128xf32, #tpu.memory_space<hbm>>
      tpu.enqueue_indirect_dma source(%dma_start3A_26 : memref<10000x128xf32, #tpu.memory_space<hbm>>) target(%arg12 : memref<88x128xf32, #tpu.memory_space<vmem>>) offsets(%arg8 : memref<88xi32, #tpu.memory_space<vmem>>) semaphore(%arg15 : memref<!tpu.dma_semaphore, #tpu.memory_space<semaphore_mem>>)
      %add3A_27 = arith.constant 2 : i32
      %add3A_28 = arith.addi %mul3A_19, %add3A_27 : i32
      %lt3A = arith.constant 114 : i32
      %lt3A_29 = arith.cmpi slt, %add3A_28, %lt3A : i32
      %convert_element_type3A = arith.extui %lt3A_29 : i1 to i32
      %cond3A = arith.constant 0 : i32
      %cond3A_30 = arith.cmpi ne, %convert_element_type3A, %cond3A : i32
      scf.if %cond3A_30 {
        %add3A_77 = arith.constant 2 : i32
        %add3A_78 = arith.addi %mul3A_19, %add3A_77 : i32
        %mul3A_79 = arith.constant 88 : i32
        %mul3A_80 = arith.muli %add3A_78, %mul3A_79 : i32
        %add3A_81 = arith.addi %mul3A_4, %mul3A_80 : i32
        %dma_start3A_82 = tpu.memref_slice %arg3[%add3A_81] : memref<321024xi32, #tpu.memory_space<hbm>> -> memref<88xi32, #tpu.memory_space<hbm>>
        %dma_start3A_83 = tpu.memref_slice %arg3[%add3A_81] : memref<321024xi32, #tpu.memory_space<hbm>> -> memref<88xi32, #tpu.memory_space<hbm>>
        tpu.enqueue_dma source(%dma_start3A_83 : memref<88xi32, #tpu.memory_space<hbm>>) target(%arg7 : memref<88xi32, #tpu.memory_space<vmem>>) target_semaphore(%arg16 : memref<!tpu.dma_semaphore, #tpu.memory_space<semaphore_mem>>)
      } else {
      }
      %mul3A_31 = arith.constant 88 : i32
      %mul3A_32 = arith.muli %mul3A_19, %mul3A_31 : i32
      %add3A_33 = arith.addi %mul3A_4, %mul3A_32 : i32
      %dma_wait3A_34 = tpu.memref_slice %arg4[%add3A_33] : memref<321024xi32, #tpu.memory_space<hbm>> -> memref<88xi32, #tpu.memory_space<hbm>>
      %dma_wait3A_35 = tpu.memref_slice %arg4[%add3A_33] : memref<321024xi32, #tpu.memory_space<hbm>> -> memref<88xi32, #tpu.memory_space<hbm>>
      tpu.wait_dma2 semaphore(%arg18 : memref<!tpu.dma_semaphore, #tpu.memory_space<semaphore_mem>>) src(%dma_wait3A_35 : memref<88xi32, #tpu.memory_space<hbm>>) dst(%arg9 : memref<88xi32, #tpu.memory_space<vmem>>)
      %mul3A_36 = arith.constant 88 : i32
      %mul3A_37 = arith.muli %add3A_21, %mul3A_36 : i32
      %add3A_38 = arith.addi %mul3A_4, %mul3A_37 : i32
      %dma_start3A_39 = tpu.memref_slice %arg4[%add3A_38] : memref<321024xi32, #tpu.memory_space<hbm>> -> memref<88xi32, #tpu.memory_space<hbm>>
      %dma_start3A_40 = tpu.memref_slice %arg4[%add3A_38] : memref<321024xi32, #tpu.memory_space<hbm>> -> memref<88xi32, #tpu.memory_space<hbm>>
      tpu.enqueue_dma source(%dma_start3A_40 : memref<88xi32, #tpu.memory_space<hbm>>) target(%arg10 : memref<88xi32, #tpu.memory_space<vmem>>) target_semaphore(%arg19 : memref<!tpu.dma_semaphore, #tpu.memory_space<semaphore_mem>>)
      "tpu.region"() ({
        %run_scoped3A = tpu.sem_alloc : memref<!tpu.dma_semaphore, #tpu.memory_space<semaphore_mem>>
        %dma_start3A_77 = arith.constant 0 : i32
        %dma_start3A_78 = arith.constant 0 : i32
        %dma_start3A_79 = tpu.memref_slice %arg13[%dma_start3A_77, %dma_start3A_78] : memref<10112x128xf32, #tpu.memory_space<vmem_shared>> -> memref<10112x128xf32, #tpu.memory_space<vmem_shared>>
        tpu.enqueue_indirect_dma source(%arg11 : memref<88x128xf32, #tpu.memory_space<vmem>>) target(%dma_start3A_79 : memref<10112x128xf32, #tpu.memory_space<vmem_shared>>) offsets(%arg9 : memref<88xi32, #tpu.memory_space<vmem>>) semaphore(%run_scoped3A : memref<!tpu.dma_semaphore, #tpu.memory_space<semaphore_mem>>) {add = true}
        %dma_wait3A_80 = arith.constant 0 : i32
        %dma_wait3A_81 = arith.constant 0 : i32
        %dma_wait3A_82 = tpu.memref_slice %arg13[%dma_wait3A_80, %dma_wait3A_81] : memref<10112x128xf32, #tpu.memory_space<vmem_shared>> -> memref<10112x128xf32, #tpu.memory_space<vmem_shared>>
        tpu.wait_indirect_dma semaphore(%run_scoped3A : memref<!tpu.dma_semaphore, #tpu.memory_space<semaphore_mem>>) src(%arg11 : memref<88x128xf32, #tpu.memory_space<vmem>>) dst(%dma_wait3A_82 : memref<10112x128xf32, #tpu.memory_space<vmem_shared>>)
        tpu.yield
      }) : () -> ()
      %dma_wait3A_41 = arith.constant 0 : i32
      %dma_wait3A_42 = arith.constant 0 : i32
      %dma_wait3A_43 = tpu.memref_slice %arg2[%dma_wait3A_41, %dma_wait3A_42] : memref<10000x128xf32, #tpu.memory_space<hbm>> -> memref<10000x128xf32, #tpu.memory_space<hbm>>
      tpu.wait_indirect_dma semaphore(%arg15 : memref<!tpu.dma_semaphore, #tpu.memory_space<semaphore_mem>>) src(%dma_wait3A_43 : memref<10000x128xf32, #tpu.memory_space<hbm>>) dst(%arg12 : memref<88x128xf32, #tpu.memory_space<vmem>>)
      %add3A_44 = arith.constant 2 : i32
      %add3A_45 = arith.addi %mul3A_19, %add3A_44 : i32
      %lt3A_46 = arith.constant 114 : i32
      %lt3A_47 = arith.cmpi slt, %add3A_45, %lt3A_46 : i32
      %convert_element_type3A_48 = arith.extui %lt3A_47 : i1 to i32
      %cond3A_49 = arith.constant 0 : i32
      %cond3A_50 = arith.cmpi ne, %convert_element_type3A_48, %cond3A_49 : i32
      scf.if %cond3A_50 {
        %add3A_77 = arith.constant 2 : i32
        %add3A_78 = arith.addi %mul3A_19, %add3A_77 : i32
        %mul3A_79 = arith.constant 88 : i32
        %mul3A_80 = arith.muli %add3A_78, %mul3A_79 : i32
        %add3A_81 = arith.addi %mul3A_4, %mul3A_80 : i32
        %dma_wait3A_82 = tpu.memref_slice %arg3[%add3A_81] : memref<321024xi32, #tpu.memory_space<hbm>> -> memref<88xi32, #tpu.memory_space<hbm>>
        %dma_wait3A_83 = tpu.memref_slice %arg3[%add3A_81] : memref<321024xi32, #tpu.memory_space<hbm>> -> memref<88xi32, #tpu.memory_space<hbm>>
        tpu.wait_dma2 semaphore(%arg16 : memref<!tpu.dma_semaphore, #tpu.memory_space<semaphore_mem>>) src(%dma_wait3A_83 : memref<88xi32, #tpu.memory_space<hbm>>) dst(%arg7 : memref<88xi32, #tpu.memory_space<vmem>>)
        %dma_start3A_84 = arith.constant 0 : i32
        %dma_start3A_85 = arith.constant 0 : i32
        %dma_start3A_86 = tpu.memref_slice %arg2[%dma_start3A_84, %dma_start3A_85] : memref<10000x128xf32, #tpu.memory_space<hbm>> -> memref<10000x128xf32, #tpu.memory_space<hbm>>
        tpu.enqueue_indirect_dma source(%dma_start3A_86 : memref<10000x128xf32, #tpu.memory_space<hbm>>) target(%arg11 : memref<88x128xf32, #tpu.memory_space<vmem>>) offsets(%arg7 : memref<88xi32, #tpu.memory_space<vmem>>) semaphore(%arg14 : memref<!tpu.dma_semaphore, #tpu.memory_space<semaphore_mem>>)
      } else {
      }
      %add3A_51 = arith.constant 3 : i32
      %add3A_52 = arith.addi %mul3A_19, %add3A_51 : i32
      %lt3A_53 = arith.constant 114 : i32
      %lt3A_54 = arith.cmpi slt, %add3A_52, %lt3A_53 : i32
      %convert_element_type3A_55 = arith.extui %lt3A_54 : i1 to i32
      %cond3A_56 = arith.constant 0 : i32
      %cond3A_57 = arith.cmpi ne, %convert_element_type3A_55, %cond3A_56 : i32
      scf.if %cond3A_57 {
        %add3A_77 = arith.constant 3 : i32
        %add3A_78 = arith.addi %mul3A_19, %add3A_77 : i32
        %mul3A_79 = arith.constant 88 : i32
        %mul3A_80 = arith.muli %add3A_78, %mul3A_79 : i32
        %add3A_81 = arith.addi %mul3A_4, %mul3A_80 : i32
        %dma_start3A_82 = tpu.memref_slice %arg3[%add3A_81] : memref<321024xi32, #tpu.memory_space<hbm>> -> memref<88xi32, #tpu.memory_space<hbm>>
        %dma_start3A_83 = tpu.memref_slice %arg3[%add3A_81] : memref<321024xi32, #tpu.memory_space<hbm>> -> memref<88xi32, #tpu.memory_space<hbm>>
        tpu.enqueue_dma source(%dma_start3A_83 : memref<88xi32, #tpu.memory_space<hbm>>) target(%arg8 : memref<88xi32, #tpu.memory_space<vmem>>) target_semaphore(%arg17 : memref<!tpu.dma_semaphore, #tpu.memory_space<semaphore_mem>>)
      } else {
      }
      %mul3A_58 = arith.constant 88 : i32
      %mul3A_59 = arith.muli %add3A_21, %mul3A_58 : i32
      %add3A_60 = arith.addi %mul3A_4, %mul3A_59 : i32
      %dma_wait3A_61 = tpu.memref_slice %arg4[%add3A_60] : memref<321024xi32, #tpu.memory_space<hbm>> -> memref<88xi32, #tpu.memory_space<hbm>>
      %dma_wait3A_62 = tpu.memref_slice %arg4[%add3A_60] : memref<321024xi32, #tpu.memory_space<hbm>> -> memref<88xi32, #tpu.memory_space<hbm>>
      tpu.wait_dma2 semaphore(%arg19 : memref<!tpu.dma_semaphore, #tpu.memory_space<semaphore_mem>>) src(%dma_wait3A_62 : memref<88xi32, #tpu.memory_space<hbm>>) dst(%arg10 : memref<88xi32, #tpu.memory_space<vmem>>)
      "tpu.region"() ({
        %run_scoped3A = tpu.sem_alloc : memref<!tpu.dma_semaphore, #tpu.memory_space<semaphore_mem>>
        %dma_start3A_77 = arith.constant 0 : i32
        %dma_start3A_78 = arith.constant 0 : i32
        %dma_start3A_79 = tpu.memref_slice %arg13[%dma_start3A_77, %dma_start3A_78] : memref<10112x128xf32, #tpu.memory_space<vmem_shared>> -> memref<10112x128xf32, #tpu.memory_space<vmem_shared>>
        tpu.enqueue_indirect_dma source(%arg12 : memref<88x128xf32, #tpu.memory_space<vmem>>) target(%dma_start3A_79 : memref<10112x128xf32, #tpu.memory_space<vmem_shared>>) offsets(%arg10 : memref<88xi32, #tpu.memory_space<vmem>>) semaphore(%run_scoped3A : memref<!tpu.dma_semaphore, #tpu.memory_space<semaphore_mem>>) {add = true}
        %dma_wait3A_80 = arith.constant 0 : i32
        %dma_wait3A_81 = arith.constant 0 : i32
        %dma_wait3A_82 = tpu.memref_slice %arg13[%dma_wait3A_80, %dma_wait3A_81] : memref<10112x128xf32, #tpu.memory_space<vmem_shared>> -> memref<10112x128xf32, #tpu.memory_space<vmem_shared>>
        tpu.wait_indirect_dma semaphore(%run_scoped3A : memref<!tpu.dma_semaphore, #tpu.memory_space<semaphore_mem>>) src(%arg12 : memref<88x128xf32, #tpu.memory_space<vmem>>) dst(%dma_wait3A_82 : memref<10112x128xf32, #tpu.memory_space<vmem_shared>>)
        tpu.yield
      }) : () -> ()
      %add3A_63 = arith.constant 3 : i32
      %add3A_64 = arith.addi %mul3A_19, %add3A_63 : i32
      %lt3A_65 = arith.constant 114 : i32
      %lt3A_66 = arith.cmpi slt, %add3A_64, %lt3A_65 : i32
      %convert_element_type3A_67 = arith.extui %lt3A_66 : i1 to i32
      %cond3A_68 = arith.constant 0 : i32
      %cond3A_69 = arith.cmpi ne, %convert_element_type3A_67, %cond3A_68 : i32
      scf.if %cond3A_69 {
        %add3A_77 = arith.constant 3 : i32
        %add3A_78 = arith.addi %mul3A_19, %add3A_77 : i32
        %mul3A_79 = arith.constant 88 : i32
        %mul3A_80 = arith.muli %add3A_78, %mul3A_79 : i32
        %add3A_81 = arith.addi %mul3A_4, %mul3A_80 : i32
        %dma_wait3A_82 = tpu.memref_slice %arg3[%add3A_81] : memref<321024xi32, #tpu.memory_space<hbm>> -> memref<88xi32, #tpu.memory_space<hbm>>
        %dma_wait3A_83 = tpu.memref_slice %arg3[%add3A_81] : memref<321024xi32, #tpu.memory_space<hbm>> -> memref<88xi32, #tpu.memory_space<hbm>>
        tpu.wait_dma2 semaphore(%arg17 : memref<!tpu.dma_semaphore, #tpu.memory_space<semaphore_mem>>) src(%dma_wait3A_83 : memref<88xi32, #tpu.memory_space<hbm>>) dst(%arg8 : memref<88xi32, #tpu.memory_space<vmem>>)
      } else {
      }
      %add3A_70 = arith.constant 2 : i32
      %add3A_71 = arith.addi %mul3A_19, %add3A_70 : i32
      %lt3A_72 = arith.constant 114 : i32
      %lt3A_73 = arith.cmpi slt, %add3A_71, %lt3A_72 : i32
      %convert_element_type3A_74 = arith.extui %lt3A_73 : i1 to i32
      %cond3A_75 = arith.constant 0 : i32
      %cond3A_76 = arith.cmpi ne, %convert_element_type3A_74, %cond3A_75 : i32
      scf.if %cond3A_76 {
        %add3A_77 = arith.constant 2 : i32
        %add3A_78 = arith.addi %mul3A_19, %add3A_77 : i32
        %mul3A_79 = arith.constant 88 : i32
        %mul3A_80 = arith.muli %add3A_78, %mul3A_79 : i32
        %add3A_81 = arith.addi %mul3A_4, %mul3A_80 : i32
        %dma_start3A_82 = tpu.memref_slice %arg4[%add3A_81] : memref<321024xi32, #tpu.memory_space<hbm>> -> memref<88xi32, #tpu.memory_space<hbm>>
        %dma_start3A_83 = tpu.memref_slice %arg4[%add3A_81] : memref<321024xi32, #tpu.memory_space<hbm>> -> memref<88xi32, #tpu.memory_space<hbm>>
        tpu.enqueue_dma source(%dma_start3A_83 : memref<88xi32, #tpu.memory_space<hbm>>) target(%arg9 : memref<88xi32, #tpu.memory_space<vmem>>) target_semaphore(%arg18 : memref<!tpu.dma_semaphore, #tpu.memory_space<semaphore_mem>>)
      } else {
      }
    }
    %scan3A_15 = arith.constant 57 : i32
    %barrier3A_16 = arith.constant 0 : index
    tpu.barrier barrier_id(%barrier3A_16)
    "tpu.region"() ({
      %run_scoped3A = tpu.sem_alloc : memref<!tpu.dma_semaphore, #tpu.memory_space<semaphore_mem>>
      %dma_start3A_17 = arith.constant 0 : i32
      %dma_start3A_18 = tpu.memref_slice %arg6[%arg0, %mul3A_2, %dma_start3A_17] : memref<2x10112x128xf32, #tpu.memory_space<hbm>> -> memref<1x632x128xf32, #tpu.memory_space<hbm>>
      %dma_start3A_19 = tpu.memref_squeeze %dma_start3A_18 : memref<1x632x128xf32, #tpu.memory_space<hbm>> -> memref<632x128xf32, #tpu.memory_space<hbm>>
      %dma_start3A_20 = arith.constant 0 : i32
      %dma_start3A_21 = tpu.memref_slice %arg13[%mul3A_2, %dma_start3A_20] : memref<10112x128xf32, #tpu.memory_space<vmem_shared>> -> memref<632x128xf32, #tpu.memory_space<vmem_shared>>
      tpu.enqueue_dma source(%dma_start3A_21 : memref<632x128xf32, #tpu.memory_space<vmem_shared>>) target(%dma_start3A_19 : memref<632x128xf32, #tpu.memory_space<hbm>>) target_semaphore(%run_scoped3A : memref<!tpu.dma_semaphore, #tpu.memory_space<semaphore_mem>>)
      %dma_wait3A = arith.constant 0 : i32
      %dma_wait3A_22 = tpu.memref_slice %arg6[%arg0, %mul3A_2, %dma_wait3A] : memref<2x10112x128xf32, #tpu.memory_space<hbm>> -> memref<1x632x128xf32, #tpu.memory_space<hbm>>
      %dma_wait3A_23 = tpu.memref_squeeze %dma_wait3A_22 : memref<1x632x128xf32, #tpu.memory_space<hbm>> -> memref<632x128xf32, #tpu.memory_space<hbm>>
      %dma_wait3A_24 = arith.constant 0 : i32
      %dma_wait3A_25 = tpu.memref_slice %arg13[%mul3A_2, %dma_wait3A_24] : memref<10112x128xf32, #tpu.memory_space<vmem_shared>> -> memref<632x128xf32, #tpu.memory_space<vmem_shared>>
      tpu.wait_dma2 semaphore(%run_scoped3A : memref<!tpu.dma_semaphore, #tpu.memory_space<semaphore_mem>>) src(%dma_wait3A_25 : memref<632x128xf32, #tpu.memory_space<vmem_shared>>) dst(%dma_wait3A_23 : memref<632x128xf32, #tpu.memory_space<hbm>>)
      tpu.yield
    }) : () -> ()
    return
  }
}

module attributes {stable_mosaic.version = 14 : i64} {
  func.func @_pre_body(%arg0: i32, %arg1: memref<32x1024xf32, #tpu.memory_space<vmem>>, %arg2: memref<1024x128xf32, #tpu.memory_space<vmem>>, %arg3: memref<128x128xf32, #tpu.memory_space<vmem>>, %arg4: memref<1024x128xf32, #tpu.memory_space<vmem>>) attributes {dimension_semantics = [#tpu.dimension_semantics<arbitrary>], iteration_bounds = array<i64: 10>, scalar_prefetch = 0 : i64, scratch_operands = 0 : i64, tpu.core_type = #tpu.core_type<tc>, window_params = [{transform_indices = @transform_0, window_bounds = array<i64: 32, 1024>}, {transform_indices = @transform_1, window_bounds = array<i64: 1024, 128>}, {pipeline_mode = #tpu.pipeline_mode<synchronous>, transform_indices = @transform_2, window_bounds = array<i64: 128, 128>}, {transform_indices = @transform_3, window_bounds = array<i64: 1024, 128>}]} {
    %get3A = arith.constant 0 : index
    %get3A_0 = arith.constant 0 : index
    %get3A_1 = vector.load %arg1[%get3A, %get3A_0] : memref<32x1024xf32, #tpu.memory_space<vmem>>, vector<32x1024xf32>
    %reduce_sum3A = arith.constant dense<0.000000e+00> : vector<1024xf32>
    %reduce_sum3A_2 = vector.multi_reduction <add>, %get3A_1, %reduce_sum3A [0] : vector<32x1024xf32> to vector<1024xf32>
    %add3A = arith.constant 1.000000e+00 : f32
    %add3A_3 = vector.broadcast %add3A : f32 to vector<1024xf32>
    %add3A_4 = arith.addf %reduce_sum3A_2, %add3A_3 : vector<1024xf32>
    %rsqrt3A = math.rsqrt %add3A_4 : vector<1024xf32>
    %broadcast_in_dim3A = vector.shape_cast %rsqrt3A : vector<1024xf32> to vector<1024x1xf32>
    %get3A_5 = arith.constant 0 : index
    %get3A_6 = arith.constant 0 : index
    %get3A_7 = vector.load %arg2[%get3A_5, %get3A_6] : memref<1024x128xf32, #tpu.memory_space<vmem>>, vector<1024x128xf32>
    %get3A_8 = arith.constant 0 : index
    %get3A_9 = arith.constant 0 : index
    %get3A_10 = vector.load %arg3[%get3A_8, %get3A_9] : memref<128x128xf32, #tpu.memory_space<vmem>>, vector<128x128xf32>
    %dot_general3A = arith.constant dense<0.000000e+00> : vector<1024x128xf32>
    %dot_general3A_11 = tpu.matmul %get3A_7, %get3A_10, %dot_general3A {dimension_numbers = #tpu.dot_dimension_numbers<[1], [0], [0], [1], [0, 0, 1, 1], [], []>, transpose_lhs_hint = false} : vector<1024x128xf32>, vector<128x128xf32>, vector<1024x128xf32> -> vector<1024x128xf32>
    %mul3A = vector.broadcast %broadcast_in_dim3A : vector<1024x1xf32> to vector<1024x128xf32>
    %mul3A_12 = arith.mulf %dot_general3A_11, %mul3A : vector<1024x128xf32>
    %swap3A = arith.constant 0 : index
    %swap3A_13 = arith.constant 0 : index
    %swap3A_14 = vector.load %arg4[%swap3A, %swap3A_13] : memref<1024x128xf32, #tpu.memory_space<vmem>>, vector<1024x128xf32>
    tpu.vector_store %arg4[%swap3A, %swap3A_13], %mul3A_12 {strides = array<i32>} : memref<1024x128xf32, #tpu.memory_space<vmem>>, vector<1024x128xf32>,
    return
  }
  func.func @transform_0(%arg0: i32) -> (i32, i32) {
    %c0_i32 = arith.constant 0 : i32
    %c0_i32_0 = arith.constant 0 : i32
    return %c0_i32, %arg0 : i32, i32
  }
  func.func @transform_1(%arg0: i32) -> (i32, i32) {
    %c0_i32 = arith.constant 0 : i32
    %c0_i32_0 = arith.constant 0 : i32
    return %arg0, %c0_i32 : i32, i32
  }
  func.func @transform_2(%arg0: i32) -> (i32, i32) {
    %c0_i32 = arith.constant 0 : i32
    %c0_i32_0 = arith.constant 0 : i32
    %c0_i32_1 = arith.constant 0 : i32
    return %c0_i32, %c0_i32_0 : i32, i32
  }
  func.func @transform_3(%arg0: i32) -> (i32, i32) {
    %c0_i32 = arith.constant 0 : i32
    %c0_i32_0 = arith.constant 0 : i32
    return %arg0, %c0_i32 : i32, i32
  }
}

module attributes {stable_mosaic.version = 14 : i64} {
  func.func @_mid_body(%arg0: i32, %arg1: memref<2x1024x128xf32, #tpu.memory_space<vmem>>, %arg2: memref<1024x128xf32, #tpu.memory_space<vmem>>, %arg3: memref<32x1024xf32, #tpu.memory_space<vmem>>, %arg4: memref<128xf32, #tpu.memory_space<vmem>>, %arg5: memref<128x128xf32, #tpu.memory_space<vmem>>, %arg6: memref<1024x128xf32, #tpu.memory_space<vmem>>) attributes {dimension_semantics = [#tpu.dimension_semantics<arbitrary>], iteration_bounds = array<i64: 10>, scalar_prefetch = 0 : i64, scratch_operands = 0 : i64, tpu.core_type = #tpu.core_type<tc>, window_params = [{transform_indices = @transform_0, window_bounds = array<i64: 2, 1024, 128>}, {transform_indices = @transform_1, window_bounds = array<i64: 1024, 128>}, {transform_indices = @transform_2, window_bounds = array<i64: 32, 1024>}, {pipeline_mode = #tpu.pipeline_mode<synchronous>, transform_indices = @transform_3, window_bounds = array<i64: 128>}, {pipeline_mode = #tpu.pipeline_mode<synchronous>, transform_indices = @transform_4, window_bounds = array<i64: 128, 128>}, {transform_indices = @transform_5, window_bounds = array<i64: 1024, 128>}]} {
    %get3A = arith.constant 0 : index
    %get3A_0 = arith.constant 0 : index
    %get3A_1 = vector.load %arg3[%get3A, %get3A_0] : memref<32x1024xf32, #tpu.memory_space<vmem>>, vector<32x1024xf32>
    %reduce_sum3A = arith.constant dense<0.000000e+00> : vector<1024xf32>
    %reduce_sum3A_2 = vector.multi_reduction <add>, %get3A_1, %reduce_sum3A [0] : vector<32x1024xf32> to vector<1024xf32>
    %add3A = arith.constant 1.000000e+00 : f32
    %add3A_3 = vector.broadcast %add3A : f32 to vector<1024xf32>
    %add3A_4 = arith.addf %reduce_sum3A_2, %add3A_3 : vector<1024xf32>
    %rsqrt3A = math.rsqrt %add3A_4 : vector<1024xf32>
    %broadcast_in_dim3A = vector.shape_cast %rsqrt3A : vector<1024xf32> to vector<1024x1xf32>
    %get3A_5 = arith.constant 0 : index
    %get3A_6 = arith.constant 0 : index
    %get3A_7 = arith.constant 0 : index
    %get3A_8 = vector.load %arg1[%get3A_5, %get3A_6, %get3A_7] : memref<2x1024x128xf32, #tpu.memory_space<vmem>>, vector<1x1024x128xf32>
    %get3A_9 = vector.shape_cast %get3A_8 : vector<1x1024x128xf32> to vector<1024x128xf32>
    %get3A_10 = arith.constant 1 : index
    %get3A_11 = arith.constant 0 : index
    %get3A_12 = arith.constant 0 : index
    %get3A_13 = vector.load %arg1[%get3A_10, %get3A_11, %get3A_12] : memref<2x1024x128xf32, #tpu.memory_space<vmem>>, vector<1x1024x128xf32>
    %get3A_14 = vector.shape_cast %get3A_13 : vector<1x1024x128xf32> to vector<1024x128xf32>
    %add3A_15 = arith.addf %get3A_9, %get3A_14 : vector<1024x128xf32>
    %get3A_16 = arith.constant 0 : index
    %get3A_17 = arith.constant 0 : index
    %get3A_18 = vector.load %arg2[%get3A_16, %get3A_17] : memref<1024x128xf32, #tpu.memory_space<vmem>>, vector<1024x128xf32>
    %add3A_19 = arith.addf %add3A_15, %get3A_18 : vector<1024x128xf32>
    %mul3A = vector.broadcast %broadcast_in_dim3A : vector<1024x1xf32> to vector<1024x128xf32>
    %mul3A_20 = arith.mulf %mul3A, %add3A_19 : vector<1024x128xf32>
    %get3A_21 = arith.constant 0 : index
    %get3A_22 = vector.load %arg4[%get3A_21] : memref<128xf32, #tpu.memory_space<vmem>>, vector<128xf32>
    %broadcast_in_dim3A_23 = vector.shape_cast %get3A_22 : vector<128xf32> to vector<1x128xf32>
    %add3A_24 = vector.broadcast %broadcast_in_dim3A_23 : vector<1x128xf32> to vector<1024x128xf32>
    %add3A_25 = arith.addf %mul3A_20, %add3A_24 : vector<1024x128xf32>
    %max3A = arith.constant 0.000000e+00 : f32
    %max3A_26 = vector.broadcast %max3A : f32 to vector<1024x128xf32>
    %max3A_27 = arith.maximumf %add3A_25, %max3A_26 : vector<1024x128xf32>
    %get3A_28 = arith.constant 0 : index
    %get3A_29 = arith.constant 0 : index
    %get3A_30 = vector.load %arg5[%get3A_28, %get3A_29] : memref<128x128xf32, #tpu.memory_space<vmem>>, vector<128x128xf32>
    %dot_general3A = arith.constant dense<0.000000e+00> : vector<1024x128xf32>
    %dot_general3A_31 = tpu.matmul %max3A_27, %get3A_30, %dot_general3A {dimension_numbers = #tpu.dot_dimension_numbers<[1], [0], [0], [1], [0, 0, 1, 1], [], []>, transpose_lhs_hint = false} : vector<1024x128xf32>, vector<128x128xf32>, vector<1024x128xf32> -> vector<1024x128xf32>
    %mul3A_32 = vector.broadcast %broadcast_in_dim3A : vector<1024x1xf32> to vector<1024x128xf32>
    %mul3A_33 = arith.mulf %dot_general3A_31, %mul3A_32 : vector<1024x128xf32>
    %swap3A = arith.constant 0 : index
    %swap3A_34 = arith.constant 0 : index
    %swap3A_35 = vector.load %arg6[%swap3A, %swap3A_34] : memref<1024x128xf32, #tpu.memory_space<vmem>>, vector<1024x128xf32>
    tpu.vector_store %arg6[%swap3A, %swap3A_34], %mul3A_33 {strides = array<i32>} : memref<1024x128xf32, #tpu.memory_space<vmem>>, vector<1024x128xf32>,
    return
  }
  func.func @transform_0(%arg0: i32) -> (i32, i32, i32) {
    %c0_i32 = arith.constant 0 : i32
    %c0_i32_0 = arith.constant 0 : i32
    %c0_i32_1 = arith.constant 0 : i32
    return %c0_i32, %arg0, %c0_i32_0 : i32, i32, i32
  }
  func.func @transform_1(%arg0: i32) -> (i32, i32) {
    %c0_i32 = arith.constant 0 : i32
    %c0_i32_0 = arith.constant 0 : i32
    return %arg0, %c0_i32 : i32, i32
  }
  func.func @transform_2(%arg0: i32) -> (i32, i32) {
    %c0_i32 = arith.constant 0 : i32
    %c0_i32_0 = arith.constant 0 : i32
    return %c0_i32, %arg0 : i32, i32
  }
  func.func @transform_3(%arg0: i32) -> i32 {
    %c0_i32 = arith.constant 0 : i32
    %c0_i32_0 = arith.constant 0 : i32
    return %c0_i32 : i32
  }
  func.func @transform_4(%arg0: i32) -> (i32, i32) {
    %c0_i32 = arith.constant 0 : i32
    %c0_i32_0 = arith.constant 0 : i32
    %c0_i32_1 = arith.constant 0 : i32
    return %c0_i32, %c0_i32_0 : i32, i32
  }
  func.func @transform_5(%arg0: i32) -> (i32, i32) {
    %c0_i32 = arith.constant 0 : i32
    %c0_i32_0 = arith.constant 0 : i32
    return %arg0, %c0_i32 : i32, i32
  }
}

module attributes {stable_mosaic.version = 14 : i64} {
  func.func @_post_body(%arg0: i32, %arg1: memref<2x1024x128xf32, #tpu.memory_space<vmem>>, %arg2: memref<1024x128xf32, #tpu.memory_space<vmem>>, %arg3: memref<32x1024xf32, #tpu.memory_space<vmem>>, %arg4: memref<128xf32, #tpu.memory_space<vmem>>, %arg5: memref<1024x128xf32, #tpu.memory_space<vmem>>) attributes {dimension_semantics = [#tpu.dimension_semantics<arbitrary>], iteration_bounds = array<i64: 10>, scalar_prefetch = 0 : i64, scratch_operands = 0 : i64, tpu.core_type = #tpu.core_type<tc>, window_params = [{transform_indices = @transform_0, window_bounds = array<i64: 2, 1024, 128>}, {transform_indices = @transform_1, window_bounds = array<i64: 1024, 128>}, {transform_indices = @transform_2, window_bounds = array<i64: 32, 1024>}, {pipeline_mode = #tpu.pipeline_mode<synchronous>, transform_indices = @transform_3, window_bounds = array<i64: 128>}, {transform_indices = @transform_4, window_bounds = array<i64: 1024, 128>}]} {
    %get3A = arith.constant 0 : index
    %get3A_0 = arith.constant 0 : index
    %get3A_1 = vector.load %arg3[%get3A, %get3A_0] : memref<32x1024xf32, #tpu.memory_space<vmem>>, vector<32x1024xf32>
    %reduce_sum3A = arith.constant dense<0.000000e+00> : vector<1024xf32>
    %reduce_sum3A_2 = vector.multi_reduction <add>, %get3A_1, %reduce_sum3A [0] : vector<32x1024xf32> to vector<1024xf32>
    %add3A = arith.constant 1.000000e+00 : f32
    %add3A_3 = vector.broadcast %add3A : f32 to vector<1024xf32>
    %add3A_4 = arith.addf %reduce_sum3A_2, %add3A_3 : vector<1024xf32>
    %rsqrt3A = math.rsqrt %add3A_4 : vector<1024xf32>
    %broadcast_in_dim3A = vector.shape_cast %rsqrt3A : vector<1024xf32> to vector<1024x1xf32>
    %get3A_5 = arith.constant 0 : index
    %get3A_6 = arith.constant 0 : index
    %get3A_7 = arith.constant 0 : index
    %get3A_8 = vector.load %arg1[%get3A_5, %get3A_6, %get3A_7] : memref<2x1024x128xf32, #tpu.memory_space<vmem>>, vector<1x1024x128xf32>
    %get3A_9 = vector.shape_cast %get3A_8 : vector<1x1024x128xf32> to vector<1024x128xf32>
    %get3A_10 = arith.constant 1 : index
    %get3A_11 = arith.constant 0 : index
    %get3A_12 = arith.constant 0 : index
    %get3A_13 = vector.load %arg1[%get3A_10, %get3A_11, %get3A_12] : memref<2x1024x128xf32, #tpu.memory_space<vmem>>, vector<1x1024x128xf32>
    %get3A_14 = vector.shape_cast %get3A_13 : vector<1x1024x128xf32> to vector<1024x128xf32>
    %add3A_15 = arith.addf %get3A_9, %get3A_14 : vector<1024x128xf32>
    %get3A_16 = arith.constant 0 : index
    %get3A_17 = arith.constant 0 : index
    %get3A_18 = vector.load %arg2[%get3A_16, %get3A_17] : memref<1024x128xf32, #tpu.memory_space<vmem>>, vector<1024x128xf32>
    %add3A_19 = arith.addf %add3A_15, %get3A_18 : vector<1024x128xf32>
    %mul3A = vector.broadcast %broadcast_in_dim3A : vector<1024x1xf32> to vector<1024x128xf32>
    %mul3A_20 = arith.mulf %mul3A, %add3A_19 : vector<1024x128xf32>
    %get3A_21 = arith.constant 0 : index
    %get3A_22 = vector.load %arg4[%get3A_21] : memref<128xf32, #tpu.memory_space<vmem>>, vector<128xf32>
    %broadcast_in_dim3A_23 = vector.shape_cast %get3A_22 : vector<128xf32> to vector<1x128xf32>
    %add3A_24 = vector.broadcast %broadcast_in_dim3A_23 : vector<1x128xf32> to vector<1024x128xf32>
    %add3A_25 = arith.addf %mul3A_20, %add3A_24 : vector<1024x128xf32>
    %max3A = arith.constant 0.000000e+00 : f32
    %max3A_26 = vector.broadcast %max3A : f32 to vector<1024x128xf32>
    %max3A_27 = arith.maximumf %add3A_25, %max3A_26 : vector<1024x128xf32>
    %swap3A = arith.constant 0 : index
    %swap3A_28 = arith.constant 0 : index
    %swap3A_29 = vector.load %arg5[%swap3A, %swap3A_28] : memref<1024x128xf32, #tpu.memory_space<vmem>>, vector<1024x128xf32>
    tpu.vector_store %arg5[%swap3A, %swap3A_28], %max3A_27 {strides = array<i32>} : memref<1024x128xf32, #tpu.memory_space<vmem>>, vector<1024x128xf32>,
    return
  }
  func.func @transform_0(%arg0: i32) -> (i32, i32, i32) {
    %c0_i32 = arith.constant 0 : i32
    %c0_i32_0 = arith.constant 0 : i32
    %c0_i32_1 = arith.constant 0 : i32
    return %c0_i32, %arg0, %c0_i32_0 : i32, i32, i32
  }
  func.func @transform_1(%arg0: i32) -> (i32, i32) {
    %c0_i32 = arith.constant 0 : i32
    %c0_i32_0 = arith.constant 0 : i32
    return %arg0, %c0_i32 : i32, i32
  }
  func.func @transform_2(%arg0: i32) -> (i32, i32) {
    %c0_i32 = arith.constant 0 : i32
    %c0_i32_0 = arith.constant 0 : i32
    return %c0_i32, %arg0 : i32, i32
  }
  func.func @transform_3(%arg0: i32) -> i32 {
    %c0_i32 = arith.constant 0 : i32
    %c0_i32_0 = arith.constant 0 : i32
    return %c0_i32 : i32
  }
  func.func @transform_4(%arg0: i32) -> (i32, i32) {
    %c0_i32 = arith.constant 0 : i32
    %c0_i32_0 = arith.constant 0 : i32
    return %arg0, %c0_i32 : i32, i32
  }
}

</mosaic_0001>

<sc_bundles>
// kernel: kernel.11.cloned.1.call-start
scs
__scs_entry_jumppad:
0x0: {  	(pc) =	sbr.rel $0x88, $3  }
0x1: {  	(tag) =	ssettag $0x0;
	lr =	simm.s32 $0x1  }
0x2: {  	[smem:$0x3F9B] =	sst lr;
	_ =	strace $0xD0000000  }
0x3: {  	_ = 	snop  }
0x4: {  	_ = 	snop  }
0x5: {  	_ = 	snop  }
0x6: {  	_ = 	snop  }
0x7: {  	_ = 	snop  }
__scs_overlays_trampoline_lowered:
0x8: {  	[smem:$0x3FAA] =	sst s0  }
0x9: {  	[smem:$0x3FAB] =	sst s1  }
0xa: {  	[smem:$0x3FAC] =	sst s2  }
0xb: {  	[smem:$0x3FAD] =	sst s3  }
0xc: {  	[smem:$0x3FAE] =	sst s4  }
0xd: {  	[smem:$0x3FAF] =	sst s5  }
0xe: {  	[smem:$0x3FB0] =	sst s6  }
0xf: {  	[smem:$0x3FB1] =	sst s7  }
0x10: {  	[smem:$0x3FB2] =	sst s8  }
0x11: {  	[smem:$0x3FB3] =	sst s9;
	s0 =	simm.s32 @!p0 $0x0  }
0x12: {  	s1 =	sld [smem:$0x3F99];
	s0 =	simm.s32 @p0 $0x1  }
0x13: {  	[smem:$0x3FB4] =	sst s0;
	s0 =	simm.s32 @!p1 $0x0  }
0x14: {  	s2 =	sld [smem:$0x3F98];
	s0 =	simm.s32 @p1 $0x1  }
0x15: {  	[smem:$0x3FB5] =	sst s0;
	s0 =	simm.s32 @!p2 $0x0  }
0x16: {  	s3 =	sld [smem:$0x3FDB];
	s0 =	simm.s32 @p2 $0x1  }
0x17: {  	s4 =	simm.s32 $0x1BF5;
	[smem:$0x3FB7] =	sst s0  }
0x18: {  	s0 =	sld [smem:$0x3F9A];
	_ =	swait.ge [sflag:s4], $0x0  }
0x19: {  	s7 =	sld [smem:$0x3F9B]  }
0x1a: {  	s8 =	sadd.s32 $0xFFFFE003, lr  }
0x1b: {  	s9 =	sadd.s32 $0xFFFFFEF7, lr;
	s5 =	simm.s32 $0xFFFFFFFF;
	p2 =	slt.u32 s8, $0xFFFFF086  }
0x1c: {  	p1 =	slt.u32 s9, $0xF7A;
	s5 =	simm.s32 @!p2 $0x0  }
0x1d: {  	s5 =	simm.s32 @p1 $0x1;
	p0 =	seq.s32 s7, s2  }
0x1e: {  	s7 =	smul.u32 @!p0 $0xF7A, s2;
	p2 =	seq.s32 @!p0 s5, $0x0  }
0x1f: {  	s9 =	smul.u32 $0xF7A, s1;
	s8 =	simm.s32 @!p0 $0x1BF5;
	p2 =	por !p2, p0  }
0x20: {  	[sflag:s8] =	ssyncset.s32 @!p0 $0xFFFFF086;
	s6 =	sadd.s32 @!p0 s3, s7;
	s7 =	simm.s32 @!p0 $0x108  }
0x21: {  	s3 =	sadd.s32 s3, s9;
	s6 =	sadd.s32 @!p0 $0x88, s6;
	s7 =	simm.s32 @p2 $0x1082  }
0x22: {  	[simem:s7], [sflag:s8] =	dma.local @!p0 [hbm:s6], $0xF7A  }
0x23: {  	s9 =	sor.u32 $0xD0000000, s2;
	s6 =	simm.s32 $0x108;
	_ =	swait.ge @!p0 [sflag:s8], $0x0  }
0x24: {  	s3 =	sadd.s32 $0x88, s3;
	s6 =	simm.s32 @!p1 $0x1082;
	[sflag:s4] =	ssyncset.s32 $0xFFFFF086  }
0x25: {  	[simem:s6], [sflag:s4] =	dma.local [hbm:s3], $0xF7A  }
0x26: {  	[smem:$0x3F9B] =	sst s1;
	(tag) =	ssettag s2;
	_ =	strace s9  }
0x27: {  	s1 =	sld [smem:$0x3FAB]  }
0x28: {  	s2 =	sld [smem:$0x3FAC]  }
0x29: {  	s4 =	sld [smem:$0x3FAE]  }
0x2a: {  	p0 =	seq.s32 s5, $0x0;
	s5 =	sld [smem:$0x3FAF]  }
0x2b: {  	s6 =	sld [smem:$0x3FB0]  }
0x2c: {  	s7 =	sld [smem:$0x3FB1]  }
0x2d: {  	s3 =	simm.s32 $0x108;
	s8 =	sld [smem:$0x3FB2]  }
0x2e: {  	s3 =	simm.s32 @!p0 $0x1082;
	s9 =	sld [smem:$0x3FB3]  }
0x2f: {  	lr =	sadd.s32 s0, s3;
	s0 =	sld [smem:$0x3FAA]  }
0x30: {  	s3 =	sld [smem:$0x3FAD]  }
0x31: {  	[smem:$0x3FB6] =	sst s10  }
0x32: {  	s10 =	sld [smem:$0x3FB4];
	_ =	sdelay $0x3  }
0x33: {  	p0 =	seq.s32 s10, $0x1;
	s10 =	sld [smem:$0x3FB6];
	_ =	sdelay $0x3  }
0x34: {  	[smem:$0x3FB6] =	sst s10  }
0x35: {  	s10 =	sld [smem:$0x3FB5];
	_ =	sdelay $0x3  }
0x36: {  	p1 =	seq.s32 s10, $0x1;
	s10 =	sld [smem:$0x3FB6];
	_ =	sdelay $0x3  }
0x37: {  	[smem:$0x3FB6] =	sst s10  }
0x38: {  	s10 =	sld [smem:$0x3FB7]  }
0x39: {  	_ = 	snop;
	(pc) =	sbr.ind lr, $3  }
0x3a: {  	_ = 	snop  }
0x3b: {  	_ = 	snop  }
0x3c: {  	p2 =	seq.s32 s10, $0x1;
	s10 =	sld [smem:$0x3FB6]  }
0x3d: {  	_ =	shalt  }
0x3e: {  	_ =	shalt  }
0x3f: {  	_ =	shalt  }
0x40: {  	_ =	shalt  }
0x41: {  	_ =	shalt  }
0x42: {  	_ =	shalt  }
0x43: {  	_ =	shalt  }
0x44: {  	_ =	shalt  }
0x45: {  	_ =	shalt  }
0x46: {  	_ =	shalt  }
0x47: {  	_ =	shalt  }
0x48: {  	_ =	shalt  }
0x49: {  	_ =	shalt  }
0x4a: {  	_ =	shalt  }
0x4b: {  	_ =	shalt  }
0x4c: {  	_ =	shalt  }
0x4d: {  	_ =	shalt  }
0x4e: {  	_ =	shalt  }
0x4f: {  	_ =	shalt  }
0x50: {  	_ =	shalt  }
0x51: {  	_ =	shalt  }
0x52: {  	_ =	shalt  }
0x53: {  	_ =	shalt  }
0x54: {  	_ =	shalt  }
0x55: {  	_ =	shalt  }
0x56: {  	_ =	shalt  }
0x57: {  	_ =	shalt  }
0x58: {  	_ =	shalt  }
0x59: {  	_ =	shalt  }
0x5a: {  	_ =	shalt  }
0x5b: {  	_ =	shalt  }
0x5c: {  	_ =	shalt  }
0x5d: {  	_ =	shalt  }
0x5e: {  	_ =	shalt  }
0x5f: {  	_ =	shalt  }
0x60: {  	_ =	shalt  }
0x61: {  	_ =	shalt  }
0x62: {  	_ =	shalt  }
0x63: {  	_ =	shalt  }
0x64: {  	_ =	shalt  }
0x65: {  	_ =	shalt  }
0x66: {  	_ =	shalt  }
0x67: {  	_ =	shalt  }
0x68: {  	_ =	shalt  }
0x69: {  	_ =	shalt  }
0x6a: {  	_ =	shalt  }
0x6b: {  	_ =	shalt  }
0x6c: {  	_ =	shalt  }
0x6d: {  	_ =	shalt  }
0x6e: {  	_ =	shalt  }
0x6f: {  	_ =	shalt  }
0x70: {  	_ =	shalt  }
0x71: {  	_ =	shalt  }
0x72: {  	_ =	shalt  }
0x73: {  	_ =	shalt  }
0x74: {  	_ =	shalt  }
0x75: {  	_ =	shalt  }
0x76: {  	_ =	shalt  }
0x77: {  	_ =	shalt  }
0x78: {  	_ =	shalt  }
0x79: {  	_ =	shalt  }
0x7a: {  	_ =	shalt  }
0x7b: {  	_ =	shalt  }
0x7c: {  	_ =	shalt  }
0x7d: {  	_ =	shalt  }
0x7e: {  	_ =	shalt  }
0x7f: {  	_ =	shalt  }
0x80: {  	_ =	shalt  }
0x81: {  	_ =	shalt  }
0x82: {  	_ =	shalt  }
0x83: {  	_ =	shalt  }
0x84: {  	_ =	shalt  }
0x85: {  	_ =	shalt  }
0x86: {  	_ =	shalt  }
0x87: {  	_ =	shalt  }
.Lfunc_end0:
.L_simem_size_0:
called_computation.1_lowered:
.L_overlay_start_0:
0x88: {  	s2 =	sld [smem:$0x3FD9]  }
0x89: {  	s3 =	sld [smem:$0x3FFE];
	_ =	sdelay $0x1  }
0x8a: {  	s1 =	srdreg.scid  }
0x8b: {  	s0 =	sand.u32 $0x1, s1  }
0x8c: {  	s17 =	sshll.u32 s0, $0xA;
	s2 =	sadd.s32 s3, s2  }
0x8d: {  	s2 =	sadd.s32 s2, s17  }
0x8e: {  	[smem:$0x3FC2] =	sst s2  }
0x8f: {  	_ = 	snop  }
0x90: {  	s2 =	sld [smem:$0x3FD0];
	(tm) =	ssettm $0x1  }
0x91: {  	s18 =	sld [smem:$0x3FFB];
	_ =	sdelay $0x3  }
0x92: {  	_ =	strace s18  }
0x93: {  	s3 =	sld [smem:$0x3FFC];
	_ =	sdelay $0x3  }
0x94: {  	_ =	strace s3  }
0x95: {  	s3 =	sld [smem:$0x3FFD];
	_ =	sdelay $0x3  }
0x96: {  	_ =	strace s3  }
0x97: {  	_ =	strace $0x8FFFFFFF  }
0x98: {  	s19 =	sld [smem:$0x3FDB];
	_ =	sdelay $0x1  }
0x99: {  	s4 =	simm.s32 $_scs_section_size  }
0x9a: {  	s5 =	simm.s32 $_size__tile_overlayer_lowered;
	s6 =	simm.s32 $_tile_overlayer_lowered  }
0x9b: {  	s22 =	simm.s32 $0x1BFF;
	s21 =	sshll.u32 s6, $0x1;
	s3 =	sadd.s32 s4, s19  }
0x9c: {  	s7 =	simm.s32 $0x0;
	s20 =	sshll.u32 s5, $0x1;
	s5 =	sadd.s32 s21, s3  }
0x9d: {  	[timem:s7], [sflag:s22] =	dma.local [hbm:s5], s20  }
0x9e: {  	_ =	swait.ge [sflag:s22], s20  }
0x9f: {  	s4 =	ssub.s32 $0x0, s20;
	[sflag:s22] =	ssyncset.done $0x0  }
0xa0: {  	[sflag:s22] =	ssyncadd.s32 s4;
	_ =	sdelay $0x1  }
0xa1: {  	s23 =	simm.s32 $0x1B8B  }
0xa2: {  	_ =	swait.ge [sflag:s23], $0x1  }
0xa3: {  	[sflag:s23] =	ssyncset.done $0x0  }
0xa4: {  	s25 =	simm.s32 $0x1B8E;
	s24 =	sld [smem:$0x3FFE];
	[sflag:s23] =	ssyncadd.s32 $0xFFFFFFFF  }
0xa5: {  	s26 =	simm.s32 $execute0_lowered;
	[smem:$0x3FD2] =	sst s25  }
0xa6: {  	s5 =	sshll.u32 s26, $0x1;
	_ =	strace $0x80000049;
	[dreg:$0x1] =	wrdreg $0xFFFFFFFF  }
0xa7: {  	s28 =	simm.s32 $_size_execute0_lowered;
	s3 =	sadd.s32 s3, s5;
	[dreg:$0x0] =	wrdreg $0x0  }
0xa8: {  	s5 =	sshll.u32 s28, $0x1;
	[dreg:$0x2] =	wrdreg s3  }
0xa9: {  	[dreg:$0x3] =	wrdreg s5  }
0xaa: {  	[dreg:$0x4] =	wrdreg $0xC0  }
0xab: {  	_ =	task [dreg:s7], $0x5FFFF  }
0xac: {  	[dreg:$0x1] =	wrdreg $0xFFFFFFFF  }
0xad: {  	[dreg:$0x0] =	wrdreg $0x60  }
0xae: {  	[dreg:$0x2] =	wrdreg s2  }
0xaf: {  	[dreg:$0x3] =	wrdreg s24  }
0xb0: {  	[dreg:$0x4] =	wrdreg $0x5A000  }
0xb1: {  	[dreg:$0x5] =	wrdreg $0x9  }
0xb2: {  	_ =	task.clear_ibuf [dreg:s7], $0x6FFFF;
	_ =	strace $0x90000049  }
0xb3: {  	s29 =	simm.s32 $0x9;
	_ =	strace $0x8000004B  }
0xb4: {  	_ =	swait.ge [sflag:s29], $0x1  }
0xb5: {  	[sflag:s29] =	ssyncadd.s32 $0xFFFFFFFF  }
0xb6: {  	_ =	strace $0x9000004B  }
0xb7: {  	_ =	sfence  }
0xb8: {  	s30 =	sld [smem:$0x0];
	_ =	sdelay $0x2  }
0xb9: {  	s31 =	sshll.u32 s1, $0xD;
	s1 =	sshrl.u32 s1, $0x2  }
0xba: {  	s3 =	sand.u32 $0x4000, s31;
	s1 =	sadd.s32 s1, s30  }
0xbb: {  	s0 =	sor.u32 s3, s0;
	s1 =	sshll.u32 s1, $0x11  }
0xbc: {  	s0 =	sor.u32 s1, s0  }
0xbd: {  	s0 =	sadd.s32 $0x8F2B, s0  }
0xbe: {  	[sflag:s0] =	ssyncadd.remote.s32 $0x1  }
0xbf: {  	_ =	sfence.sel $0xFFFF  }
0xc0: {  	[dreg:$0x0] =	wrdreg $0xFFFFFFFF;
	(pc) =	sbr.abs _section_cstart, $3  }
0xc1: {  	[dreg:$0x1] =	wrdreg $0xFFFFFFFF  }
0xc2: {  	_ =	task.clear_ibuf [dreg:s7], $0x2FFFF;
	_ =	strace $0x9FFFFFFF  }
0xc3: {  	(tm) =	ssettm $0x7FFFFFFF  }
tec
execute0_lowered:
.L_overlay_start_1:
0x0: {  	(tag) =	ssettag $0x1  }
0x1: {  	s1 =	rddreg [dreg:$0x0]  }
0x2: {  	s0 =	rddreg [dreg:$0x1]  }
0x3: {  	s3 =	rddreg [dreg:$0x2];
	s4 =	simm.s32 $0x0  }
0x4: {  	s20 =	stileid.u32;
	s2 =	srdreg.scid;
	s28 =	simm.s32 $0x2  }
0x5: {  	s29 =	simm.s32 $0x6;
	s30 =	simm.s32 $0x3;
	s31 =	simm.s32 $0x4  }
0x6: {  	[smem:$0x7FF] =	sst s4;
	s7 =	smul.u32 $0x13C00, s20;
	s2 =	sand.u32 $0x1, s2  }
0x7: {  	s5 =	sadd.s32 $0xC000, s0;
	s6 =	sadd.s32 $0x15E00, s0;
	s18 =	smul.u32 $0x4F000, s20  }
0x8: {  	s10 =	sshll.u32 s20, $0x1;
	s12 =	smul.u32 $0x4E60, s20;
	s26 =	sshll.u32 s20, $0x6  }
0x9: {  	s20 =	simm.s32 $0x100;
	_ =	strace $0x8000004A;
	s8 =	smul.u32 $0x13C000, s2  }
0xa: {  	s15 =	sor.u32 s2, s10;
	s16 =	ssub.s32 $0x2, s2;
	s2 =	smul.u32 $0x2730, s2  }
0xb: {  	s9 =	sshrl.u32 s7, $0x3;
	s17 =	sshrl.u32 s16, $0x1;
	s10 =	sshrl.u32 s18, $0x2  }
0xc: {  	s18 =	simm.s32 $0x200;
	s11 =	sadd.s32 s9, s0;
	s7 =	sadd.s32 s7, s8  }
0xd: {  	s8 =	smul.u32 $0x2730, s15;
	s15 =	sadd.s32 s10, s3;
	s2 =	sadd.s32 s2, s12  }
0xe: {  	s7 =	sshrl.u32 s7, $0x3;
	s10 =	sadd.s32 $0x1FC00, s11;
	s12 =	sadd.s32 $0x108, s2  }
0xf: {  	s24 =	sadd.s32 $0x58, s2;
	s2 =	sadd.s32 $0xB0, s2;
	s0 =	sadd.s32 s7, s0  }
0x10: {  	s7 =	ssub.s32 s16, s17;
	s19 =	sadd.s32 $0x58, s8;
	s13 =	sshrl.u32 s8, $0x3  }
0x11: {  	s25 =	sshrl.u32 s12, $0x3;
	s14 =	sshrl.u32 s24, $0x3;
	s16 =	simm.s32 $0x7  }
0x12: {  	s17 =	simm.s32 $0x58;
	s24 =	simm.s32 $0x2E00;
	s21 =	sshrl.u32 s19, $0x3  }
0x13: {  	s22 =	sadd.s32 s5, s13;
	s23 =	sadd.s32 s6, s13;
	s11 =	sadd.s32 $0x47400, s0  }
.Ltmp0:
0x14: {  	s12 =	smax.u32 s7, $0x1;
	s13 =	sadd.s32 s25, s5;
	(pc) =	sbr.rel .LBB2_1-.Ltmp0, $4  }
0x15: {  	s14 =	sadd.s32 s14, s6;
	s19 =	simm.s32 $0x80;
	s25 =	simm.s32 $0x5  }
0x16: {  	s0 =	simm.s32 $0x0;
	[dreg:$0x4] =	wrdreg s22;
	s8 =	sadd.s32 s5, s21  }
0x17: {  	[dreg:$0x6] =	wrdreg s23;
	s21 =	sor.u32 $0x1C07, s26;
	s22 =	sshrl.u32 s15, $0x3  }
0x18: {  	s23 =	simm.s32 $0x1;
	s26 =	simm.s32 $0x180;
	[dreg:$0x5] =	wrdreg s8  }
.LBB2_4:
0x19: {  	_ =	swait.ge [sflag:s29], $0x58  }
0x1a: {  	[sflag:s29] =	ssyncset.done $0x0  }
0x1b: {  	[sflag:s29] =	ssyncadd.s32 $0xFFFFFFA8  }
0x1c: {  	[spmem:s3] =	stream.indirect.scatter.add.f32 [tilespmem:s24], [sflag:$0x7], $0x80, s26, s17, $0xb8;
	[tilespmem:$0x19600] =	vst v63  }
0x1d: {  	_ =	swait.ge [sflag:s16], $0x2C00  }
0x1e: {  	s0 =	sadd.s32 $0x1, s0;
	[sflag:s16] =	ssyncset.done $0x0  }
0x1f: {  	p0 =	sne.s32 s0, s12;
	[sflag:s16] =	ssyncadd.s32 $0xFFFFD400  }
.Ltmp1:
0x20: {  	[bflag:$0x0] =	sbarrier.arrive $0xFFFF;
	(pc) =	sbr.rel @!p0 .LBB2_5-.Ltmp1, $4  }
0x21: {  	[hbm:s11], [sflag:s21] =	dma.local [spmem:s22], $0x2780  }
0x22: {  	_ =	swait.ge [sflag:s16], $0x2780  }
0x23: {  	[sflag:s16] =	ssyncset.done $0x0  }
0x24: {  	[sflag:s16] =	ssyncadd.s32 $0xFFFFD880  }
.LBB2_1:
0x25: {  	s7 =	rddreg [dreg:$0x4]  }
0x26: {  	[tilespmem:s4], [sflag:$0x7] =	stream.linear.gather [hbm4b:s7+s4], $0x58, $0x38;
	[tilespmem:$0x19600] =	vst v63  }
0x27: {  	_ =	swait.ge [sflag:s16], $0x58  }
0x28: {  	[sflag:s16] =	ssyncset.done $0x0  }
0x29: {  	[sflag:s16] =	ssyncadd.s32 $0xFFFFFFA8  }
0x2a: {  	[tilespmem:s18], [sflag:$0x1] =	stream.indirect.gather [hbm4b:s1+s17], $0x80, s4, s17, $0xb8;
	[tilespmem:$0x19600] =	vst v63  }
0x2b: {  	s9 =	rddreg [dreg:$0x5]  }
0x2c: {  	[tilespmem:s19], [sflag:$0x7] =	stream.linear.gather [hbm4b:s9+s4], $0x58, $0x38;
	[tilespmem:$0x19600] =	vst v63  }
0x2d: {  	_ =	swait.ge [sflag:s16], $0x58  }
0x2e: {  	[sflag:s16] =	ssyncset.done $0x0  }
0x2f: {  	s15 =	rddreg [dreg:$0x6];
	[sflag:s16] =	ssyncadd.s32 $0xFFFFFFA8  }
0x30: {  	[tilespmem:s20], [sflag:$0x5] =	stream.linear.gather [hbm4b:s15+s4], $0x58, $0x38;
	[tilespmem:$0x19600] =	vst v63  }
0x31: {  	[spmem:s22], [sflag:s21] =	dma.local [hbm:s10], $0x2780  }
0x32: {  	_ =	swait.ge [sflag:s16], $0x2780  }
0x33: {  	[sflag:s16] =	ssyncset.done $0x0  }
0x34: {  	[sflag:s16] =	ssyncadd.s32 $0xFFFFD880  }
0x35: {  	s7 =	simm.s32 $0x0;
	s15 =	smov.u32 s2;
	[bflag:$0x0] =	sbarrier.arrive $0xFFFF  }
.LBB2_2:
0x36: {  	_ =	swait.ge [sflag:s23], $0x2C00  }
0x37: {  	p0 =	seq.s32 s7, $0x4D0;
	[sflag:s23] =	ssyncset.done $0x0  }
0x38: {  	s8 =	sshrl.u32 @!p0 s15, $0x3;
	[sflag:s23] =	ssyncadd.s32 $0xFFFFD400  }
0x39: {  	[tilespmem:s24], [sflag:$0x2] =	stream.indirect.gather [hbm4b:s1+s17], $0x80, s19, s17, $0xb8;
	[tilespmem:$0x19600] =	vst v63  }
0x3a: {  	s9 =	simm.s32 @!p0 $0x0;
	s8 =	sadd.s32 @!p0 s5, s8  }
0x3b: {  	[tilespmem:s9], [sflag:$0x3] =	stream.linear.gather @!p0 [hbm4b:s8+s9], $0x58, $0x38;
	[tilespmem:$0x19600] =	vst v63  }
0x3c: {  	_ =	swait.ge [sflag:s25], $0x58  }
0x3d: {  	[sflag:s25] =	ssyncset.done $0x0  }
0x3e: {  	s9 =	sadd.s32 s7, s14;
	[sflag:s25] =	ssyncadd.s32 $0xFFFFFFA8  }
0x3f: {  	[tilespmem:s26], [sflag:$0x6] =	stream.linear.gather [hbm4b:s9+s4], $0x58, $0x38;
	[tilespmem:$0x19600] =	vst v63  }
0x40: {  	_ = 	snop  }
0x41: {  	[spmem:s3] =	stream.indirect.scatter.add.f32 [tilespmem:s18], [sflag:$0x7], $0x80, s20, s17, $0xb8;
	[tilespmem:$0x19600] =	vst v63  }
0x42: {  	_ =	swait.ge [sflag:s16], $0x2C00  }
.Ltmp2:
0x43: {  	[sflag:s16] =	ssyncset.done $0x0;
	(pc) =	sbr.rel @p0 .LBB2_4-.Ltmp2, $4  }
0x44: {  	[sflag:s16] =	ssyncadd.s32 $0xFFFFD400  }
0x45: {  	_ =	swait.ge [sflag:s28], $0x2C00  }
0x46: {  	[sflag:s28] =	ssyncset.done $0x0  }
0x47: {  	[sflag:s28] =	ssyncadd.s32 $0xFFFFD400  }
0x48: {  	_ =	swait.ge [sflag:s30], $0x58  }
0x49: {  	[sflag:s30] =	ssyncset.done $0x0  }
0x4a: {  	[sflag:s30] =	ssyncadd.s32 $0xFFFFFFA8  }
0x4b: {  	[tilespmem:s18], [sflag:$0x1] =	stream.indirect.gather [hbm4b:s1+s17], $0x80, s4, s17, $0xb8;
	[tilespmem:$0x19600] =	vst v63  }
0x4c: {  	s8 =	sadd.s32 s7, s13  }
0x4d: {  	[tilespmem:s19], [sflag:$0x4] =	stream.linear.gather [hbm4b:s8+s4], $0x58, $0x38;
	[tilespmem:$0x19600] =	vst v63  }
0x4e: {  	_ =	swait.ge [sflag:s29], $0x58  }
0x4f: {  	[sflag:s29] =	ssyncset.done $0x0  }
0x50: {  	[sflag:s29] =	ssyncadd.s32 $0xFFFFFFA8  }
0x51: {  	[spmem:s3] =	stream.indirect.scatter.add.f32 [tilespmem:s24], [sflag:$0x7], $0x80, s26, s17, $0xb8;
	[tilespmem:$0x19600] =	vst v63  }
0x52: {  	_ =	swait.ge [sflag:s16], $0x2C00  }
0x53: {  	[sflag:s16] =	ssyncset.done $0x0  }
.Ltmp3:
0x54: {  	[sflag:s16] =	ssyncadd.s32 $0xFFFFD400;
	(pc) =	sbr.rel .LBB2_2-.Ltmp3, $4  }
0x55: {  	_ =	swait.ge [sflag:s31], $0x58  }
0x56: {  	s9 =	sshrl.u32 s15, $0x3;
	s7 =	sadd.s32 $0x16, s7;
	[sflag:s31] =	ssyncset.done $0x0  }
0x57: {  	s15 =	sadd.s32 $0xB0, s15;
	s8 =	sadd.s32 s6, s9;
	[sflag:s31] =	ssyncadd.s32 $0xFFFFFFA8  }
0x58: {  	[tilespmem:s20], [sflag:$0x5] =	stream.linear.gather [hbm4b:s8+s4], $0x58, $0x38;
	[tilespmem:$0x19600] =	vst v63  }
.LBB2_5:
0x59: {  	_ =	sfence.sel $0x180000  }
0x5a: {  	[bflag:$0x0] =	sbarrier.arrive $0xFFFF  }
0x5b: {  	_ =	strace $0x9000004A  }
0x5c: {  	s0 =	stileid.u32;
	[bflag:$0x2] =	sbarrier.arrive $0xFFFF  }
0x5d: {  	p0 =	sne.s32 s0, $0x0;
	s0 =	rddreg [dreg:$0x3]  }
0x5e: {  	s0 =	sadd.s32 @!p0 $0x100000, s0  }
0x5f: {  	[sflag:s0] =	ssyncadd.tile.s32 @!p0 $0x1;
	_ =	shalt  }
.Lfunc_end2:
_tile_overlayer_lowered:
.L_overlay_start_2:
0x60: {  	(tag) =	ssettag $0x2  }
0x61: {  	s0 =	rddreg [dreg:$0x0];
	s2 =	stileid.u32  }
0x62: {  	s1 =	rddreg [dreg:$0x1];
	p0 =	sne.s32 s2, $0x0  }
0x63: {  	s3 =	rddreg [dreg:$0x2];
	[bflag:$0x3] =	sbarrier.arrive $0xFFFF;
	s2 =	simm.s32 @!p0 $0x1C07  }
0x64: {  	[timem:s3], [sflag:s2] =	dma.local @!p0 [hbm:s0], s1  }
0x65: {  	s0 =	simm.s32 @!p0 $0x7  }
0x66: {  	_ =	swait.ge @!p0 [sflag:s0], s1  }
0x67: {  	s1 =	ssub.s32 @!p0 $0x0, s1;
	[sflag:s0] =	ssyncset.done @!p0 $0x0  }
0x68: {  	[sflag:s0] =	ssyncadd.s32 @!p0 s1  }
0x69: {  	[bflag:$0x3] =	sbarrier.arrive $0xFFFF  }
0x6a: {  	_ =	shalt  }

// kernel: kernel.14.cloned.1.call-start
scs
__scs_entry_jumppad:
0x0: {  	(pc) =	sbr.rel $0x88, $3  }
0x1: {  	(tag) =	ssettag $0x0;
	lr =	simm.s32 $0x1  }
0x2: {  	[smem:$0x3F9B] =	sst lr;
	_ =	strace $0xD0000000  }
0x3: {  	_ = 	snop  }
0x4: {  	_ = 	snop  }
0x5: {  	_ = 	snop  }
0x6: {  	_ = 	snop  }
0x7: {  	_ = 	snop  }
__scs_overlays_trampoline_lowered:
0x8: {  	[smem:$0x3FAA] =	sst s0  }
0x9: {  	[smem:$0x3FAB] =	sst s1  }
0xa: {  	[smem:$0x3FAC] =	sst s2  }
0xb: {  	[smem:$0x3FAD] =	sst s3  }
0xc: {  	[smem:$0x3FAE] =	sst s4  }
0xd: {  	[smem:$0x3FAF] =	sst s5  }
0xe: {  	[smem:$0x3FB0] =	sst s6  }
0xf: {  	[smem:$0x3FB1] =	sst s7  }
0x10: {  	[smem:$0x3FB2] =	sst s8  }
0x11: {  	[smem:$0x3FB3] =	sst s9;
	s0 =	simm.s32 @!p0 $0x0  }
0x12: {  	s1 =	sld [smem:$0x3F99];
	s0 =	simm.s32 @p0 $0x1  }
0x13: {  	[smem:$0x3FB4] =	sst s0;
	s0 =	simm.s32 @!p1 $0x0  }
0x14: {  	s2 =	sld [smem:$0x3F98];
	s0 =	simm.s32 @p1 $0x1  }
0x15: {  	[smem:$0x3FB5] =	sst s0;
	s0 =	simm.s32 @!p2 $0x0  }
0x16: {  	s3 =	sld [smem:$0x3FDB];
	s0 =	simm.s32 @p2 $0x1  }
0x17: {  	s4 =	simm.s32 $0x1BF5;
	[smem:$0x3FB7] =	sst s0  }
0x18: {  	s0 =	sld [smem:$0x3F9A];
	_ =	swait.ge [sflag:s4], $0x0  }
0x19: {  	s7 =	sld [smem:$0x3F9B]  }
0x1a: {  	s8 =	sadd.s32 $0xFFFFE003, lr  }
0x1b: {  	s9 =	sadd.s32 $0xFFFFFEF7, lr;
	s5 =	simm.s32 $0xFFFFFFFF;
	p2 =	slt.u32 s8, $0xFFFFF086  }
0x1c: {  	p1 =	slt.u32 s9, $0xF7A;
	s5 =	simm.s32 @!p2 $0x0  }
0x1d: {  	s5 =	simm.s32 @p1 $0x1;
	p0 =	seq.s32 s7, s2  }
0x1e: {  	s7 =	smul.u32 @!p0 $0xF7A, s2;
	p2 =	seq.s32 @!p0 s5, $0x0  }
0x1f: {  	s9 =	smul.u32 $0xF7A, s1;
	s8 =	simm.s32 @!p0 $0x1BF5;
	p2 =	por !p2, p0  }
0x20: {  	[sflag:s8] =	ssyncset.s32 @!p0 $0xFFFFF086;
	s6 =	sadd.s32 @!p0 s3, s7;
	s7 =	simm.s32 @!p0 $0x108  }
0x21: {  	s3 =	sadd.s32 s3, s9;
	s6 =	sadd.s32 @!p0 $0x88, s6;
	s7 =	simm.s32 @p2 $0x1082  }
0x22: {  	[simem:s7], [sflag:s8] =	dma.local @!p0 [hbm:s6], $0xF7A  }
0x23: {  	s9 =	sor.u32 $0xD0000000, s2;
	s6 =	simm.s32 $0x108;
	_ =	swait.ge @!p0 [sflag:s8], $0x0  }
0x24: {  	s3 =	sadd.s32 $0x88, s3;
	s6 =	simm.s32 @!p1 $0x1082;
	[sflag:s4] =	ssyncset.s32 $0xFFFFF086  }
0x25: {  	[simem:s6], [sflag:s4] =	dma.local [hbm:s3], $0xF7A  }
0x26: {  	[smem:$0x3F9B] =	sst s1;
	(tag) =	ssettag s2;
	_ =	strace s9  }
0x27: {  	s1 =	sld [smem:$0x3FAB]  }
0x28: {  	s2 =	sld [smem:$0x3FAC]  }
0x29: {  	s4 =	sld [smem:$0x3FAE]  }
0x2a: {  	p0 =	seq.s32 s5, $0x0;
	s5 =	sld [smem:$0x3FAF]  }
0x2b: {  	s6 =	sld [smem:$0x3FB0]  }
0x2c: {  	s7 =	sld [smem:$0x3FB1]  }
0x2d: {  	s3 =	simm.s32 $0x108;
	s8 =	sld [smem:$0x3FB2]  }
0x2e: {  	s3 =	simm.s32 @!p0 $0x1082;
	s9 =	sld [smem:$0x3FB3]  }
0x2f: {  	lr =	sadd.s32 s0, s3;
	s0 =	sld [smem:$0x3FAA]  }
0x30: {  	s3 =	sld [smem:$0x3FAD]  }
0x31: {  	[smem:$0x3FB6] =	sst s10  }
0x32: {  	s10 =	sld [smem:$0x3FB4];
	_ =	sdelay $0x3  }
0x33: {  	p0 =	seq.s32 s10, $0x1;
	s10 =	sld [smem:$0x3FB6];
	_ =	sdelay $0x3  }
0x34: {  	[smem:$0x3FB6] =	sst s10  }
0x35: {  	s10 =	sld [smem:$0x3FB5];
	_ =	sdelay $0x3  }
0x36: {  	p1 =	seq.s32 s10, $0x1;
	s10 =	sld [smem:$0x3FB6];
	_ =	sdelay $0x3  }
0x37: {  	[smem:$0x3FB6] =	sst s10  }
0x38: {  	s10 =	sld [smem:$0x3FB7]  }
0x39: {  	_ = 	snop;
	(pc) =	sbr.ind lr, $3  }
0x3a: {  	_ = 	snop  }
0x3b: {  	_ = 	snop  }
0x3c: {  	p2 =	seq.s32 s10, $0x1;
	s10 =	sld [smem:$0x3FB6]  }
0x3d: {  	_ =	shalt  }
0x3e: {  	_ =	shalt  }
0x3f: {  	_ =	shalt  }
0x40: {  	_ =	shalt  }
0x41: {  	_ =	shalt  }
0x42: {  	_ =	shalt  }
0x43: {  	_ =	shalt  }
0x44: {  	_ =	shalt  }
0x45: {  	_ =	shalt  }
0x46: {  	_ =	shalt  }
0x47: {  	_ =	shalt  }
0x48: {  	_ =	shalt  }
0x49: {  	_ =	shalt  }
0x4a: {  	_ =	shalt  }
0x4b: {  	_ =	shalt  }
0x4c: {  	_ =	shalt  }
0x4d: {  	_ =	shalt  }
0x4e: {  	_ =	shalt  }
0x4f: {  	_ =	shalt  }
0x50: {  	_ =	shalt  }
0x51: {  	_ =	shalt  }
0x52: {  	_ =	shalt  }
0x53: {  	_ =	shalt  }
0x54: {  	_ =	shalt  }
0x55: {  	_ =	shalt  }
0x56: {  	_ =	shalt  }
0x57: {  	_ =	shalt  }
0x58: {  	_ =	shalt  }
0x59: {  	_ =	shalt  }
0x5a: {  	_ =	shalt  }
0x5b: {  	_ =	shalt  }
0x5c: {  	_ =	shalt  }
0x5d: {  	_ =	shalt  }
0x5e: {  	_ =	shalt  }
0x5f: {  	_ =	shalt  }
0x60: {  	_ =	shalt  }
0x61: {  	_ =	shalt  }
0x62: {  	_ =	shalt  }
0x63: {  	_ =	shalt  }
0x64: {  	_ =	shalt  }
0x65: {  	_ =	shalt  }
0x66: {  	_ =	shalt  }
0x67: {  	_ =	shalt  }
0x68: {  	_ =	shalt  }
0x69: {  	_ =	shalt  }
0x6a: {  	_ =	shalt  }
0x6b: {  	_ =	shalt  }
0x6c: {  	_ =	shalt  }
0x6d: {  	_ =	shalt  }
0x6e: {  	_ =	shalt  }
0x6f: {  	_ =	shalt  }
0x70: {  	_ =	shalt  }
0x71: {  	_ =	shalt  }
0x72: {  	_ =	shalt  }
0x73: {  	_ =	shalt  }
0x74: {  	_ =	shalt  }
0x75: {  	_ =	shalt  }
0x76: {  	_ =	shalt  }
0x77: {  	_ =	shalt  }
0x78: {  	_ =	shalt  }
0x79: {  	_ =	shalt  }
0x7a: {  	_ =	shalt  }
0x7b: {  	_ =	shalt  }
0x7c: {  	_ =	shalt  }
0x7d: {  	_ =	shalt  }
0x7e: {  	_ =	shalt  }
0x7f: {  	_ =	shalt  }
0x80: {  	_ =	shalt  }
0x81: {  	_ =	shalt  }
0x82: {  	_ =	shalt  }
0x83: {  	_ =	shalt  }
0x84: {  	_ =	shalt  }
0x85: {  	_ =	shalt  }
0x86: {  	_ =	shalt  }
0x87: {  	_ =	shalt  }
.Lfunc_end0:
.L_simem_size_0:
called_computation.2_lowered:
.L_overlay_start_0:
0x88: {  	s2 =	sld [smem:$0x3FD9]  }
0x89: {  	s3 =	sld [smem:$0x3FFE];
	_ =	sdelay $0x1  }
0x8a: {  	s1 =	srdreg.scid  }
0x8b: {  	s0 =	sand.u32 $0x1, s1  }
0x8c: {  	s17 =	sshll.u32 s0, $0xA;
	s2 =	sadd.s32 s3, s2  }
0x8d: {  	s2 =	sadd.s32 s2, s17  }
0x8e: {  	[smem:$0x3FC2] =	sst s2  }
0x8f: {  	_ = 	snop  }
0x90: {  	s2 =	sld [smem:$0x3FD0];
	(tm) =	ssettm $0x1  }
0x91: {  	s18 =	sld [smem:$0x3FFB];
	_ =	sdelay $0x3  }
0x92: {  	_ =	strace s18  }
0x93: {  	s3 =	sld [smem:$0x3FFC];
	_ =	sdelay $0x3  }
0x94: {  	_ =	strace s3  }
0x95: {  	s3 =	sld [smem:$0x3FFD];
	_ =	sdelay $0x3  }
0x96: {  	_ =	strace s3  }
0x97: {  	_ =	strace $0x8FFFFFFF  }
0x98: {  	s19 =	sld [smem:$0x3FDB];
	_ =	sdelay $0x1  }
0x99: {  	s4 =	simm.s32 $_scs_section_size  }
0x9a: {  	s5 =	simm.s32 $_size__tile_overlayer_lowered;
	s6 =	simm.s32 $_tile_overlayer_lowered  }
0x9b: {  	s22 =	simm.s32 $0x1BFF;
	s21 =	sshll.u32 s6, $0x1;
	s3 =	sadd.s32 s4, s19  }
0x9c: {  	s7 =	simm.s32 $0x0;
	s20 =	sshll.u32 s5, $0x1;
	s5 =	sadd.s32 s21, s3  }
0x9d: {  	[timem:s7], [sflag:s22] =	dma.local [hbm:s5], s20  }
0x9e: {  	_ =	swait.ge [sflag:s22], s20  }
0x9f: {  	s4 =	ssub.s32 $0x0, s20;
	[sflag:s22] =	ssyncset.done $0x0  }
0xa0: {  	[sflag:s22] =	ssyncadd.s32 s4;
	_ =	sdelay $0x1  }
0xa1: {  	s23 =	simm.s32 $0x1B8B  }
0xa2: {  	_ =	swait.ge [sflag:s23], $0x1  }
0xa3: {  	[sflag:s23] =	ssyncset.done $0x0  }
0xa4: {  	s25 =	simm.s32 $0x1B8E;
	s24 =	sld [smem:$0x3FFE];
	[sflag:s23] =	ssyncadd.s32 $0xFFFFFFFF  }
0xa5: {  	s26 =	simm.s32 $execute0_lowered;
	[smem:$0x3FD2] =	sst s25  }
0xa6: {  	s5 =	sshll.u32 s26, $0x1;
	_ =	strace $0x8000004C;
	[dreg:$0x1] =	wrdreg $0xFFFFFFFF  }
0xa7: {  	s28 =	simm.s32 $_size_execute0_lowered;
	s3 =	sadd.s32 s3, s5;
	[dreg:$0x0] =	wrdreg $0x0  }
0xa8: {  	s5 =	sshll.u32 s28, $0x1;
	[dreg:$0x2] =	wrdreg s3  }
0xa9: {  	[dreg:$0x3] =	wrdreg s5  }
0xaa: {  	[dreg:$0x4] =	wrdreg $0xC0  }
0xab: {  	_ =	task [dreg:s7], $0x5FFFF  }
0xac: {  	[dreg:$0x1] =	wrdreg $0xFFFFFFFF  }
0xad: {  	[dreg:$0x0] =	wrdreg $0x60  }
0xae: {  	[dreg:$0x2] =	wrdreg s2  }
0xaf: {  	[dreg:$0x3] =	wrdreg s24  }
0xb0: {  	[dreg:$0x4] =	wrdreg $0x5A000  }
0xb1: {  	[dreg:$0x5] =	wrdreg $0x9  }
0xb2: {  	_ =	task.clear_ibuf [dreg:s7], $0x6FFFF;
	_ =	strace $0x9000004C  }
0xb3: {  	s29 =	simm.s32 $0x9;
	_ =	strace $0x8000004E  }
0xb4: {  	_ =	swait.ge [sflag:s29], $0x1  }
0xb5: {  	[sflag:s29] =	ssyncadd.s32 $0xFFFFFFFF  }
0xb6: {  	_ =	strace $0x9000004E  }
0xb7: {  	_ =	sfence  }
0xb8: {  	s30 =	sld [smem:$0x0];
	_ =	sdelay $0x2  }
0xb9: {  	s31 =	sshll.u32 s1, $0xD;
	s1 =	sshrl.u32 s1, $0x2  }
0xba: {  	s3 =	sand.u32 $0x4000, s31;
	s1 =	sadd.s32 s1, s30  }
0xbb: {  	s0 =	sor.u32 s3, s0;
	s1 =	sshll.u32 s1, $0x11  }
0xbc: {  	s0 =	sor.u32 s1, s0  }
0xbd: {  	s0 =	sadd.s32 $0x8F2B, s0  }
0xbe: {  	[sflag:s0] =	ssyncadd.remote.s32 $0x1  }
0xbf: {  	_ =	sfence.sel $0xFFFF  }
0xc0: {  	[dreg:$0x0] =	wrdreg $0xFFFFFFFF;
	(pc) =	sbr.abs _section_cstart, $3  }
0xc1: {  	[dreg:$0x1] =	wrdreg $0xFFFFFFFF  }
0xc2: {  	_ =	task.clear_ibuf [dreg:s7], $0x2FFFF;
	_ =	strace $0x9FFFFFFF  }
0xc3: {  	(tm) =	ssettm $0x7FFFFFFF  }
tec
execute0_lowered:
.L_overlay_start_1:
0x0: {  	(tag) =	ssettag $0x1  }
0x1: {  	s1 =	rddreg [dreg:$0x0]  }
0x2: {  	s0 =	rddreg [dreg:$0x1]  }
0x3: {  	s3 =	rddreg [dreg:$0x2];
	s4 =	simm.s32 $0x0  }
0x4: {  	s20 =	stileid.u32;
	s2 =	srdreg.scid;
	s28 =	simm.s32 $0x2  }
0x5: {  	s29 =	simm.s32 $0x6;
	s30 =	simm.s32 $0x3;
	s31 =	simm.s32 $0x4  }
0x6: {  	[smem:$0x7FF] =	sst s4;
	s7 =	smul.u32 $0x13C00, s20;
	s2 =	sand.u32 $0x1, s2  }
0x7: {  	s5 =	sadd.s32 $0xC000, s0;
	s6 =	sadd.s32 $0x15E00, s0;
	s18 =	smul.u32 $0x4F000, s20  }
0x8: {  	s10 =	sshll.u32 s20, $0x1;
	s12 =	smul.u32 $0x4E60, s20;
	s26 =	sshll.u32 s20, $0x6  }
0x9: {  	s20 =	simm.s32 $0x100;
	_ =	strace $0x8000004D;
	s8 =	smul.u32 $0x13C000, s2  }
0xa: {  	s15 =	sor.u32 s2, s10;
	s16 =	ssub.s32 $0x2, s2;
	s2 =	smul.u32 $0x2730, s2  }
0xb: {  	s9 =	sshrl.u32 s7, $0x3;
	s17 =	sshrl.u32 s16, $0x1;
	s10 =	sshrl.u32 s18, $0x2  }
0xc: {  	s18 =	simm.s32 $0x200;
	s11 =	sadd.s32 s9, s0;
	s7 =	sadd.s32 s7, s8  }
0xd: {  	s8 =	smul.u32 $0x2730, s15;
	s15 =	sadd.s32 s10, s3;
	s2 =	sadd.s32 s2, s12  }
0xe: {  	s7 =	sshrl.u32 s7, $0x3;
	s10 =	sadd.s32 $0x1FC00, s11;
	s12 =	sadd.s32 $0x108, s2  }
0xf: {  	s24 =	sadd.s32 $0x58, s2;
	s2 =	sadd.s32 $0xB0, s2;
	s0 =	sadd.s32 s7, s0  }
0x10: {  	s7 =	ssub.s32 s16, s17;
	s19 =	sadd.s32 $0x58, s8;
	s13 =	sshrl.u32 s8, $0x3  }
0x11: {  	s25 =	sshrl.u32 s12, $0x3;
	s14 =	sshrl.u32 s24, $0x3;
	s16 =	simm.s32 $0x7  }
0x12: {  	s17 =	simm.s32 $0x58;
	s24 =	simm.s32 $0x2E00;
	s21 =	sshrl.u32 s19, $0x3  }
0x13: {  	s22 =	sadd.s32 s5, s13;
	s23 =	sadd.s32 s6, s13;
	s11 =	sadd.s32 $0x47400, s0  }
.Ltmp0:
0x14: {  	s12 =	smax.u32 s7, $0x1;
	s13 =	sadd.s32 s25, s5;
	(pc) =	sbr.rel .LBB2_1-.Ltmp0, $4  }
0x15: {  	s14 =	sadd.s32 s14, s6;
	s19 =	simm.s32 $0x80;
	s25 =	simm.s32 $0x5  }
0x16: {  	s0 =	simm.s32 $0x0;
	[dreg:$0x4] =	wrdreg s22;
	s8 =	sadd.s32 s5, s21  }
0x17: {  	[dreg:$0x6] =	wrdreg s23;
	s21 =	sor.u32 $0x1C07, s26;
	s22 =	sshrl.u32 s15, $0x3  }
0x18: {  	s23 =	simm.s32 $0x1;
	s26 =	simm.s32 $0x180;
	[dreg:$0x5] =	wrdreg s8  }
.LBB2_4:
0x19: {  	_ =	swait.ge [sflag:s29], $0x58  }
0x1a: {  	[sflag:s29] =	ssyncset.done $0x0  }
0x1b: {  	[sflag:s29] =	ssyncadd.s32 $0xFFFFFFA8  }
0x1c: {  	[spmem:s3] =	stream.indirect.scatter.add.f32 [tilespmem:s24], [sflag:$0x7], $0x80, s26, s17, $0xb8;
	[tilespmem:$0x19600] =	vst v63  }
0x1d: {  	_ =	swait.ge [sflag:s16], $0x2C00  }
0x1e: {  	s0 =	sadd.s32 $0x1, s0;
	[sflag:s16] =	ssyncset.done $0x0  }
0x1f: {  	p0 =	sne.s32 s0, s12;
	[sflag:s16] =	ssyncadd.s32 $0xFFFFD400  }
.Ltmp1:
0x20: {  	[bflag:$0x0] =	sbarrier.arrive $0xFFFF;
	(pc) =	sbr.rel @!p0 .LBB2_5-.Ltmp1, $4  }
0x21: {  	[hbm:s11], [sflag:s21] =	dma.local [spmem:s22], $0x2780  }
0x22: {  	_ =	swait.ge [sflag:s16], $0x2780  }
0x23: {  	[sflag:s16] =	ssyncset.done $0x0  }
0x24: {  	[sflag:s16] =	ssyncadd.s32 $0xFFFFD880  }
.LBB2_1:
0x25: {  	s7 =	rddreg [dreg:$0x4]  }
0x26: {  	[tilespmem:s4], [sflag:$0x7] =	stream.linear.gather [hbm4b:s7+s4], $0x58, $0x38;
	[tilespmem:$0x19600] =	vst v63  }
0x27: {  	_ =	swait.ge [sflag:s16], $0x58  }
0x28: {  	[sflag:s16] =	ssyncset.done $0x0  }
0x29: {  	[sflag:s16] =	ssyncadd.s32 $0xFFFFFFA8  }
0x2a: {  	[tilespmem:s18], [sflag:$0x1] =	stream.indirect.gather [hbm4b:s1+s17], $0x80, s4, s17, $0xb8;
	[tilespmem:$0x19600] =	vst v63  }
0x2b: {  	s9 =	rddreg [dreg:$0x5]  }
0x2c: {  	[tilespmem:s19], [sflag:$0x7] =	stream.linear.gather [hbm4b:s9+s4], $0x58, $0x38;
	[tilespmem:$0x19600] =	vst v63  }
0x2d: {  	_ =	swait.ge [sflag:s16], $0x58  }
0x2e: {  	[sflag:s16] =	ssyncset.done $0x0  }
0x2f: {  	s15 =	rddreg [dreg:$0x6];
	[sflag:s16] =	ssyncadd.s32 $0xFFFFFFA8  }
0x30: {  	[tilespmem:s20], [sflag:$0x5] =	stream.linear.gather [hbm4b:s15+s4], $0x58, $0x38;
	[tilespmem:$0x19600] =	vst v63  }
0x31: {  	[spmem:s22], [sflag:s21] =	dma.local [hbm:s10], $0x2780  }
0x32: {  	_ =	swait.ge [sflag:s16], $0x2780  }
0x33: {  	[sflag:s16] =	ssyncset.done $0x0  }
0x34: {  	[sflag:s16] =	ssyncadd.s32 $0xFFFFD880  }
0x35: {  	s7 =	simm.s32 $0x0;
	s15 =	smov.u32 s2;
	[bflag:$0x0] =	sbarrier.arrive $0xFFFF  }
.LBB2_2:
0x36: {  	_ =	swait.ge [sflag:s23], $0x2C00  }
0x37: {  	p0 =	seq.s32 s7, $0x4D0;
	[sflag:s23] =	ssyncset.done $0x0  }
0x38: {  	s8 =	sshrl.u32 @!p0 s15, $0x3;
	[sflag:s23] =	ssyncadd.s32 $0xFFFFD400  }
0x39: {  	[tilespmem:s24], [sflag:$0x2] =	stream.indirect.gather [hbm4b:s1+s17], $0x80, s19, s17, $0xb8;
	[tilespmem:$0x19600] =	vst v63  }
0x3a: {  	s9 =	simm.s32 @!p0 $0x0;
	s8 =	sadd.s32 @!p0 s5, s8  }
0x3b: {  	[tilespmem:s9], [sflag:$0x3] =	stream.linear.gather @!p0 [hbm4b:s8+s9], $0x58, $0x38;
	[tilespmem:$0x19600] =	vst v63  }
0x3c: {  	_ =	swait.ge [sflag:s25], $0x58  }
0x3d: {  	[sflag:s25] =	ssyncset.done $0x0  }
0x3e: {  	s9 =	sadd.s32 s7, s14;
	[sflag:s25] =	ssyncadd.s32 $0xFFFFFFA8  }
0x3f: {  	[tilespmem:s26], [sflag:$0x6] =	stream.linear.gather [hbm4b:s9+s4], $0x58, $0x38;
	[tilespmem:$0x19600] =	vst v63  }
0x40: {  	_ = 	snop  }
0x41: {  	[spmem:s3] =	stream.indirect.scatter.add.f32 [tilespmem:s18], [sflag:$0x7], $0x80, s20, s17, $0xb8;
	[tilespmem:$0x19600] =	vst v63  }
0x42: {  	_ =	swait.ge [sflag:s16], $0x2C00  }
.Ltmp2:
0x43: {  	[sflag:s16] =	ssyncset.done $0x0;
	(pc) =	sbr.rel @p0 .LBB2_4-.Ltmp2, $4  }
0x44: {  	[sflag:s16] =	ssyncadd.s32 $0xFFFFD400  }
0x45: {  	_ =	swait.ge [sflag:s28], $0x2C00  }
0x46: {  	[sflag:s28] =	ssyncset.done $0x0  }
0x47: {  	[sflag:s28] =	ssyncadd.s32 $0xFFFFD400  }
0x48: {  	_ =	swait.ge [sflag:s30], $0x58  }
0x49: {  	[sflag:s30] =	ssyncset.done $0x0  }
0x4a: {  	[sflag:s30] =	ssyncadd.s32 $0xFFFFFFA8  }
0x4b: {  	[tilespmem:s18], [sflag:$0x1] =	stream.indirect.gather [hbm4b:s1+s17], $0x80, s4, s17, $0xb8;
	[tilespmem:$0x19600] =	vst v63  }
0x4c: {  	s8 =	sadd.s32 s7, s13  }
0x4d: {  	[tilespmem:s19], [sflag:$0x4] =	stream.linear.gather [hbm4b:s8+s4], $0x58, $0x38;
	[tilespmem:$0x19600] =	vst v63  }
0x4e: {  	_ =	swait.ge [sflag:s29], $0x58  }
0x4f: {  	[sflag:s29] =	ssyncset.done $0x0  }
0x50: {  	[sflag:s29] =	ssyncadd.s32 $0xFFFFFFA8  }
0x51: {  	[spmem:s3] =	stream.indirect.scatter.add.f32 [tilespmem:s24], [sflag:$0x7], $0x80, s26, s17, $0xb8;
	[tilespmem:$0x19600] =	vst v63  }
0x52: {  	_ =	swait.ge [sflag:s16], $0x2C00  }
0x53: {  	[sflag:s16] =	ssyncset.done $0x0  }
.Ltmp3:
0x54: {  	[sflag:s16] =	ssyncadd.s32 $0xFFFFD400;
	(pc) =	sbr.rel .LBB2_2-.Ltmp3, $4  }
0x55: {  	_ =	swait.ge [sflag:s31], $0x58  }
0x56: {  	s9 =	sshrl.u32 s15, $0x3;
	s7 =	sadd.s32 $0x16, s7;
	[sflag:s31] =	ssyncset.done $0x0  }
0x57: {  	s15 =	sadd.s32 $0xB0, s15;
	s8 =	sadd.s32 s6, s9;
	[sflag:s31] =	ssyncadd.s32 $0xFFFFFFA8  }
0x58: {  	[tilespmem:s20], [sflag:$0x5] =	stream.linear.gather [hbm4b:s8+s4], $0x58, $0x38;
	[tilespmem:$0x19600] =	vst v63  }
.LBB2_5:
0x59: {  	_ =	sfence.sel $0x180000  }
0x5a: {  	[bflag:$0x0] =	sbarrier.arrive $0xFFFF  }
0x5b: {  	_ =	strace $0x9000004D  }
0x5c: {  	s0 =	stileid.u32;
	[bflag:$0x2] =	sbarrier.arrive $0xFFFF  }
0x5d: {  	p0 =	sne.s32 s0, $0x0;
	s0 =	rddreg [dreg:$0x3]  }
0x5e: {  	s0 =	sadd.s32 @!p0 $0x100000, s0  }
0x5f: {  	[sflag:s0] =	ssyncadd.tile.s32 @!p0 $0x1;
	_ =	shalt  }
.Lfunc_end2:
_tile_overlayer_lowered:
.L_overlay_start_2:
0x60: {  	(tag) =	ssettag $0x2  }
0x61: {  	s0 =	rddreg [dreg:$0x0];
	s2 =	stileid.u32  }
0x62: {  	s1 =	rddreg [dreg:$0x1];
	p0 =	sne.s32 s2, $0x0  }
0x63: {  	s3 =	rddreg [dreg:$0x2];
	[bflag:$0x3] =	sbarrier.arrive $0xFFFF;
	s2 =	simm.s32 @!p0 $0x1C07  }
0x64: {  	[timem:s3], [sflag:s2] =	dma.local @!p0 [hbm:s0], s1  }
0x65: {  	s0 =	simm.s32 @!p0 $0x7  }
0x66: {  	_ =	swait.ge @!p0 [sflag:s0], s1  }
0x67: {  	s1 =	ssub.s32 @!p0 $0x0, s1;
	[sflag:s0] =	ssyncset.done @!p0 $0x0  }
0x68: {  	[sflag:s0] =	ssyncadd.s32 @!p0 s1  }
0x69: {  	[bflag:$0x3] =	sbarrier.arrive $0xFFFF  }
0x6a: {  	_ =	shalt  }

// kernel: kernel.8.cloned.1.call-start
scs
__scs_entry_jumppad:
0x0: {  	(pc) =	sbr.rel $0x88, $3  }
0x1: {  	(tag) =	ssettag $0x0;
	lr =	simm.s32 $0x1  }
0x2: {  	[smem:$0x3F9B] =	sst lr;
	_ =	strace $0xD0000000  }
0x3: {  	_ = 	snop  }
0x4: {  	_ = 	snop  }
0x5: {  	_ = 	snop  }
0x6: {  	_ = 	snop  }
0x7: {  	_ = 	snop  }
__scs_overlays_trampoline_lowered:
0x8: {  	[smem:$0x3FAA] =	sst s0  }
0x9: {  	[smem:$0x3FAB] =	sst s1  }
0xa: {  	[smem:$0x3FAC] =	sst s2  }
0xb: {  	[smem:$0x3FAD] =	sst s3  }
0xc: {  	[smem:$0x3FAE] =	sst s4  }
0xd: {  	[smem:$0x3FAF] =	sst s5  }
0xe: {  	[smem:$0x3FB0] =	sst s6  }
0xf: {  	[smem:$0x3FB1] =	sst s7  }
0x10: {  	[smem:$0x3FB2] =	sst s8  }
0x11: {  	[smem:$0x3FB3] =	sst s9;
	s0 =	simm.s32 @!p0 $0x0  }
0x12: {  	s1 =	sld [smem:$0x3F99];
	s0 =	simm.s32 @p0 $0x1  }
0x13: {  	[smem:$0x3FB4] =	sst s0;
	s0 =	simm.s32 @!p1 $0x0  }
0x14: {  	s2 =	sld [smem:$0x3F98];
	s0 =	simm.s32 @p1 $0x1  }
0x15: {  	[smem:$0x3FB5] =	sst s0;
	s0 =	simm.s32 @!p2 $0x0  }
0x16: {  	s3 =	sld [smem:$0x3FDB];
	s0 =	simm.s32 @p2 $0x1  }
0x17: {  	s4 =	simm.s32 $0x1BF5;
	[smem:$0x3FB7] =	sst s0  }
0x18: {  	s0 =	sld [smem:$0x3F9A];
	_ =	swait.ge [sflag:s4], $0x0  }
0x19: {  	s7 =	sld [smem:$0x3F9B]  }
0x1a: {  	s8 =	sadd.s32 $0xFFFFE003, lr  }
0x1b: {  	s9 =	sadd.s32 $0xFFFFFEF7, lr;
	s5 =	simm.s32 $0xFFFFFFFF;
	p2 =	slt.u32 s8, $0xFFFFF086  }
0x1c: {  	p1 =	slt.u32 s9, $0xF7A;
	s5 =	simm.s32 @!p2 $0x0  }
0x1d: {  	s5 =	simm.s32 @p1 $0x1;
	p0 =	seq.s32 s7, s2  }
0x1e: {  	s7 =	smul.u32 @!p0 $0xF7A, s2;
	p2 =	seq.s32 @!p0 s5, $0x0  }
0x1f: {  	s9 =	smul.u32 $0xF7A, s1;
	s8 =	simm.s32 @!p0 $0x1BF5;
	p2 =	por !p2, p0  }
0x20: {  	[sflag:s8] =	ssyncset.s32 @!p0 $0xFFFFF086;
	s6 =	sadd.s32 @!p0 s3, s7;
	s7 =	simm.s32 @!p0 $0x108  }
0x21: {  	s3 =	sadd.s32 s3, s9;
	s6 =	sadd.s32 @!p0 $0x88, s6;
	s7 =	simm.s32 @p2 $0x1082  }
0x22: {  	[simem:s7], [sflag:s8] =	dma.local @!p0 [hbm:s6], $0xF7A  }
0x23: {  	s9 =	sor.u32 $0xD0000000, s2;
	s6 =	simm.s32 $0x108;
	_ =	swait.ge @!p0 [sflag:s8], $0x0  }
0x24: {  	s3 =	sadd.s32 $0x88, s3;
	s6 =	simm.s32 @!p1 $0x1082;
	[sflag:s4] =	ssyncset.s32 $0xFFFFF086  }
0x25: {  	[simem:s6], [sflag:s4] =	dma.local [hbm:s3], $0xF7A  }
0x26: {  	[smem:$0x3F9B] =	sst s1;
	(tag) =	ssettag s2;
	_ =	strace s9  }
0x27: {  	s1 =	sld [smem:$0x3FAB]  }
0x28: {  	s2 =	sld [smem:$0x3FAC]  }
0x29: {  	s4 =	sld [smem:$0x3FAE]  }
0x2a: {  	p0 =	seq.s32 s5, $0x0;
	s5 =	sld [smem:$0x3FAF]  }
0x2b: {  	s6 =	sld [smem:$0x3FB0]  }
0x2c: {  	s7 =	sld [smem:$0x3FB1]  }
0x2d: {  	s3 =	simm.s32 $0x108;
	s8 =	sld [smem:$0x3FB2]  }
0x2e: {  	s3 =	simm.s32 @!p0 $0x1082;
	s9 =	sld [smem:$0x3FB3]  }
0x2f: {  	lr =	sadd.s32 s0, s3;
	s0 =	sld [smem:$0x3FAA]  }
0x30: {  	s3 =	sld [smem:$0x3FAD]  }
0x31: {  	[smem:$0x3FB6] =	sst s10  }
0x32: {  	s10 =	sld [smem:$0x3FB4];
	_ =	sdelay $0x3  }
0x33: {  	p0 =	seq.s32 s10, $0x1;
	s10 =	sld [smem:$0x3FB6];
	_ =	sdelay $0x3  }
0x34: {  	[smem:$0x3FB6] =	sst s10  }
0x35: {  	s10 =	sld [smem:$0x3FB5];
	_ =	sdelay $0x3  }
0x36: {  	p1 =	seq.s32 s10, $0x1;
	s10 =	sld [smem:$0x3FB6];
	_ =	sdelay $0x3  }
0x37: {  	[smem:$0x3FB6] =	sst s10  }
0x38: {  	s10 =	sld [smem:$0x3FB7]  }
0x39: {  	_ = 	snop;
	(pc) =	sbr.ind lr, $3  }
0x3a: {  	_ = 	snop  }
0x3b: {  	_ = 	snop  }
0x3c: {  	p2 =	seq.s32 s10, $0x1;
	s10 =	sld [smem:$0x3FB6]  }
0x3d: {  	_ =	shalt  }
0x3e: {  	_ =	shalt  }
0x3f: {  	_ =	shalt  }
0x40: {  	_ =	shalt  }
0x41: {  	_ =	shalt  }
0x42: {  	_ =	shalt  }
0x43: {  	_ =	shalt  }
0x44: {  	_ =	shalt  }
0x45: {  	_ =	shalt  }
0x46: {  	_ =	shalt  }
0x47: {  	_ =	shalt  }
0x48: {  	_ =	shalt  }
0x49: {  	_ =	shalt  }
0x4a: {  	_ =	shalt  }
0x4b: {  	_ =	shalt  }
0x4c: {  	_ =	shalt  }
0x4d: {  	_ =	shalt  }
0x4e: {  	_ =	shalt  }
0x4f: {  	_ =	shalt  }
0x50: {  	_ =	shalt  }
0x51: {  	_ =	shalt  }
0x52: {  	_ =	shalt  }
0x53: {  	_ =	shalt  }
0x54: {  	_ =	shalt  }
0x55: {  	_ =	shalt  }
0x56: {  	_ =	shalt  }
0x57: {  	_ =	shalt  }
0x58: {  	_ =	shalt  }
0x59: {  	_ =	shalt  }
0x5a: {  	_ =	shalt  }
0x5b: {  	_ =	shalt  }
0x5c: {  	_ =	shalt  }
0x5d: {  	_ =	shalt  }
0x5e: {  	_ =	shalt  }
0x5f: {  	_ =	shalt  }
0x60: {  	_ =	shalt  }
0x61: {  	_ =	shalt  }
0x62: {  	_ =	shalt  }
0x63: {  	_ =	shalt  }
0x64: {  	_ =	shalt  }
0x65: {  	_ =	shalt  }
0x66: {  	_ =	shalt  }
0x67: {  	_ =	shalt  }
0x68: {  	_ =	shalt  }
0x69: {  	_ =	shalt  }
0x6a: {  	_ =	shalt  }
0x6b: {  	_ =	shalt  }
0x6c: {  	_ =	shalt  }
0x6d: {  	_ =	shalt  }
0x6e: {  	_ =	shalt  }
0x6f: {  	_ =	shalt  }
0x70: {  	_ =	shalt  }
0x71: {  	_ =	shalt  }
0x72: {  	_ =	shalt  }
0x73: {  	_ =	shalt  }
0x74: {  	_ =	shalt  }
0x75: {  	_ =	shalt  }
0x76: {  	_ =	shalt  }
0x77: {  	_ =	shalt  }
0x78: {  	_ =	shalt  }
0x79: {  	_ =	shalt  }
0x7a: {  	_ =	shalt  }
0x7b: {  	_ =	shalt  }
0x7c: {  	_ =	shalt  }
0x7d: {  	_ =	shalt  }
0x7e: {  	_ =	shalt  }
0x7f: {  	_ =	shalt  }
0x80: {  	_ =	shalt  }
0x81: {  	_ =	shalt  }
0x82: {  	_ =	shalt  }
0x83: {  	_ =	shalt  }
0x84: {  	_ =	shalt  }
0x85: {  	_ =	shalt  }
0x86: {  	_ =	shalt  }
0x87: {  	_ =	shalt  }
.Lfunc_end0:
.L_simem_size_0:
called_computation_lowered:
.L_overlay_start_0:
0x88: {  	s2 =	sld [smem:$0x3FD9]  }
0x89: {  	s3 =	sld [smem:$0x3FFE];
	_ =	sdelay $0x1  }
0x8a: {  	s1 =	srdreg.scid  }
0x8b: {  	s0 =	sand.u32 $0x1, s1  }
0x8c: {  	s17 =	sshll.u32 s0, $0xA;
	s2 =	sadd.s32 s3, s2  }
0x8d: {  	s2 =	sadd.s32 s2, s17  }
0x8e: {  	[smem:$0x3FC2] =	sst s2  }
0x8f: {  	_ = 	snop  }
0x90: {  	s2 =	sld [smem:$0x3FD0];
	(tm) =	ssettm $0x1  }
0x91: {  	s18 =	sld [smem:$0x3FFB];
	_ =	sdelay $0x3  }
0x92: {  	_ =	strace s18  }
0x93: {  	s3 =	sld [smem:$0x3FFC];
	_ =	sdelay $0x3  }
0x94: {  	_ =	strace s3  }
0x95: {  	s3 =	sld [smem:$0x3FFD];
	_ =	sdelay $0x3  }
0x96: {  	_ =	strace s3  }
0x97: {  	_ =	strace $0x8FFFFFFF  }
0x98: {  	s19 =	sld [smem:$0x3FDB];
	_ =	sdelay $0x1  }
0x99: {  	s4 =	simm.s32 $_scs_section_size  }
0x9a: {  	s5 =	simm.s32 $_size__tile_overlayer_lowered;
	s6 =	simm.s32 $_tile_overlayer_lowered  }
0x9b: {  	s22 =	simm.s32 $0x1BFF;
	s21 =	sshll.u32 s6, $0x1;
	s3 =	sadd.s32 s4, s19  }
0x9c: {  	s7 =	simm.s32 $0x0;
	s20 =	sshll.u32 s5, $0x1;
	s5 =	sadd.s32 s21, s3  }
0x9d: {  	[timem:s7], [sflag:s22] =	dma.local [hbm:s5], s20  }
0x9e: {  	_ =	swait.ge [sflag:s22], s20  }
0x9f: {  	s4 =	ssub.s32 $0x0, s20;
	[sflag:s22] =	ssyncset.done $0x0  }
0xa0: {  	[sflag:s22] =	ssyncadd.s32 s4;
	_ =	sdelay $0x1  }
0xa1: {  	s23 =	simm.s32 $0x1B8B  }
0xa2: {  	_ =	swait.ge [sflag:s23], $0x1  }
0xa3: {  	[sflag:s23] =	ssyncset.done $0x0  }
0xa4: {  	s25 =	simm.s32 $0x1B8E;
	s24 =	sld [smem:$0x3FFE];
	[sflag:s23] =	ssyncadd.s32 $0xFFFFFFFF  }
0xa5: {  	s26 =	simm.s32 $execute0_lowered;
	[smem:$0x3FD2] =	sst s25  }
0xa6: {  	s5 =	sshll.u32 s26, $0x1;
	_ =	strace $0x80000046;
	[dreg:$0x1] =	wrdreg $0xFFFFFFFF  }
0xa7: {  	s28 =	simm.s32 $_size_execute0_lowered;
	s3 =	sadd.s32 s3, s5;
	[dreg:$0x0] =	wrdreg $0x0  }
0xa8: {  	s5 =	sshll.u32 s28, $0x1;
	[dreg:$0x2] =	wrdreg s3  }
0xa9: {  	[dreg:$0x3] =	wrdreg s5  }
0xaa: {  	[dreg:$0x4] =	wrdreg $0xC0  }
0xab: {  	_ =	task [dreg:s7], $0x5FFFF  }
0xac: {  	[dreg:$0x1] =	wrdreg $0xFFFFFFFF  }
0xad: {  	[dreg:$0x0] =	wrdreg $0x60  }
0xae: {  	[dreg:$0x2] =	wrdreg s2  }
0xaf: {  	[dreg:$0x3] =	wrdreg s24  }
0xb0: {  	[dreg:$0x4] =	wrdreg $0x9  }
0xb1: {  	_ =	task.clear_ibuf [dreg:s7], $0x5FFFF;
	_ =	strace $0x90000046  }
0xb2: {  	s29 =	simm.s32 $0x9;
	_ =	strace $0x80000048  }
0xb3: {  	_ =	swait.ge [sflag:s29], $0x1  }
0xb4: {  	[sflag:s29] =	ssyncadd.s32 $0xFFFFFFFF  }
0xb5: {  	_ =	strace $0x90000048  }
0xb6: {  	_ =	sfence  }
0xb7: {  	s30 =	sld [smem:$0x0];
	_ =	sdelay $0x2  }
0xb8: {  	s31 =	sshll.u32 s1, $0xD;
	s1 =	sshrl.u32 s1, $0x2  }
0xb9: {  	s3 =	sand.u32 $0x4000, s31;
	s1 =	sadd.s32 s1, s30  }
0xba: {  	s0 =	sor.u32 s3, s0;
	s1 =	sshll.u32 s1, $0x11  }
0xbb: {  	s0 =	sor.u32 s1, s0  }
0xbc: {  	s0 =	sadd.s32 $0x8F2B, s0  }
0xbd: {  	[sflag:s0] =	ssyncadd.remote.s32 $0x1  }
0xbe: {  	_ =	sfence.sel $0xFFFF  }
0xbf: {  	[dreg:$0x0] =	wrdreg $0xFFFFFFFF;
	(pc) =	sbr.abs _section_cstart, $3  }
0xc0: {  	[dreg:$0x1] =	wrdreg $0xFFFFFFFF  }
0xc1: {  	_ =	task.clear_ibuf [dreg:s7], $0x2FFFF;
	_ =	strace $0x9FFFFFFF  }
0xc2: {  	(tm) =	ssettm $0x7FFFFFFF  }
0xc3: {  	_ =	shalt  }
tec
execute0_lowered:
.L_overlay_start_1:
0x0: {  	(tag) =	ssettag $0x1  }
0x1: {  	s1 =	srdreg.scid;
	s3 =	rddreg [dreg:$0x0]  }
0x2: {  	s0 =	stileid.u32;
	s5 =	rddreg [dreg:$0x1]  }
0x3: {  	s2 =	simm.s32 $0x0;
	s4 =	sand.u32 $0x1, s1;
	s30 =	sshll.u32 s0, $0x1  }
0x4: {  	s10 =	simm.s32 $0x2780;
	s11 =	simm.s32 $0x1;
	s6 =	sor.u32 s4, s30  }
0x5: {  	s12 =	simm.s32 $0x0;
	s1 =	rddreg [dreg:$0x2];
	s7 =	smul.u32 $0x2710, s6  }
0x6: {  	[smem:$0x7FF] =	sst s2;
	s4 =	ssub.s32 $0x2, s4;
	s6 =	smul.u32 $0x4E2, s6  }
0x7: {  	_ =	strace $0x80000047;
	s8 =	sshrl.u32 s4, $0x1;
	s7 =	sshrl.u32 s7, $0x3  }
0x8: {  	s31 =	ssub.s32 s4, s8;
	s5 =	sadd.s32 s6, s5;
	s3 =	sadd.s32 s3, s7  }
0x9: {  	s4 =	sadd.s32 $0x2200, s5;
	s5 =	smax.u32 s31, $0x1;
	s6 =	sadd.s32 $0xFA, s3  }
0xa: {  	v0 =	vimm.f32 $0.0e+00;
	v1 =	vimm.f32 $1.000000000e+00;
	s7 =	sadd.s32 $0x1F4, s3;
	s8 =	sadd.s32 $0x2EE, s3;
	s9 =	sadd.s32 $0x3E8, s3  }
.LBB2_1:
0xb: {  	s13 =	simm.s32 $0x40;
	s14 =	simm.s32 $0x0  }
.LBB2_2:
0xc: {  	p0 =	sne.s32 s13, $0x9C00;
	[tilespmem:s14+$0x0] =	vst v0;
	s14 =	smov.u32 s13;
	s13 =	sadd.s32 $0x40, s13  }
.Ltmp0:
0xd: {  	(pc) =	sbr.rel @p0 .LBB2_2-.Ltmp0, $2  }
0xe: {  	_ =	sdelay $0x2  }
0xf: {  	s14 =	sshra.s32 s14, $0x2  }
0x10: {  	[tilespmem:s14+$0x0] =	vst v0;
	s13 =	simm.s32 $0x0  }
0x11: {  	[tilespmem:s10], [sflag:$0x1] =	stream.linear.gather [hbm4b:s3+s13], $0x7D0, $0x38;
	[tilespmem:$0x2F80] =	vst v63  }
0x12: {  	_ =	swait.ge [sflag:s11], $0x7D0  }
0x13: {  	[sflag:s11] =	ssyncset.done $0x0  }
0x14: {  	s14 =	simm.s32 $0x0;
	s13 =	simm.s32 $0x40;
	[sflag:s11] =	ssyncadd.s32 $0xFFFFF830  }
.LBB2_4:
0x15: {  	p0 =	sne.s32 s13, $0x1F00;
	v2 =	vld [tilespmem:s14+$0x2780];
	_ =	sdelay $0x3  }
.Ltmp1:
0x16: {  	(pc) =	sbr.rel @p0 .LBB2_4-.Ltmp1, $2  }
0x17: {  	_ =	sdelay $0x2  }
0x18: {  	s14 =	sshra.s32 s13, $0x2;
	s13 =	sadd.s32 $0x40, s13;
	[tilespmem:v2+s2+$0x0] =	vst.idx.add.f32.msk $0xffff, v1  }
0x19: {  	v2 =	vld [tilespmem:s14+$0x2780];
	_ =	sdelay $0x7  }
0x1a: {  	s13 =	simm.s32 $0x0;
	[tilespmem:v2+s2+$0x0] =	vst.idx.add.f32.msk $0xffff, v1  }
0x1b: {  	[tilespmem:s10], [sflag:$0x1] =	stream.linear.gather [hbm4b:s6+s13], $0x7D0, $0x38;
	[tilespmem:$0x2F80] =	vst v63  }
0x1c: {  	_ =	swait.ge [sflag:s11], $0x7D0  }
0x1d: {  	[sflag:s11] =	ssyncset.done $0x0  }
0x1e: {  	s14 =	simm.s32 $0x0;
	s13 =	simm.s32 $0x40;
	[sflag:s11] =	ssyncadd.s32 $0xFFFFF830  }
.LBB2_6:
0x1f: {  	p0 =	sne.s32 s13, $0x1F00;
	v2 =	vld [tilespmem:s14+$0x2780];
	_ =	sdelay $0x3  }
.Ltmp2:
0x20: {  	(pc) =	sbr.rel @p0 .LBB2_6-.Ltmp2, $2  }
0x21: {  	_ =	sdelay $0x2  }
0x22: {  	s14 =	sshra.s32 s13, $0x2;
	s13 =	sadd.s32 $0x40, s13;
	[tilespmem:v2+s2+$0x0] =	vst.idx.add.f32.msk $0xffff, v1  }
0x23: {  	v2 =	vld [tilespmem:s14+$0x2780];
	_ =	sdelay $0x7  }
0x24: {  	s13 =	simm.s32 $0x0;
	[tilespmem:v2+s2+$0x0] =	vst.idx.add.f32.msk $0xffff, v1  }
0x25: {  	[tilespmem:s10], [sflag:$0x1] =	stream.linear.gather [hbm4b:s7+s13], $0x7D0, $0x38;
	[tilespmem:$0x2F80] =	vst v63  }
0x26: {  	_ =	swait.ge [sflag:s11], $0x7D0  }
0x27: {  	[sflag:s11] =	ssyncset.done $0x0  }
0x28: {  	s14 =	simm.s32 $0x0;
	s13 =	simm.s32 $0x40;
	[sflag:s11] =	ssyncadd.s32 $0xFFFFF830  }
.LBB2_8:
0x29: {  	p0 =	sne.s32 s13, $0x1F00;
	v2 =	vld [tilespmem:s14+$0x2780];
	_ =	sdelay $0x3  }
.Ltmp3:
0x2a: {  	(pc) =	sbr.rel @p0 .LBB2_8-.Ltmp3, $2  }
0x2b: {  	_ =	sdelay $0x2  }
0x2c: {  	s14 =	sshra.s32 s13, $0x2;
	s13 =	sadd.s32 $0x40, s13;
	[tilespmem:v2+s2+$0x0] =	vst.idx.add.f32.msk $0xffff, v1  }
0x2d: {  	v2 =	vld [tilespmem:s14+$0x2780];
	_ =	sdelay $0x7  }
0x2e: {  	s13 =	simm.s32 $0x0;
	[tilespmem:v2+s2+$0x0] =	vst.idx.add.f32.msk $0xffff, v1  }
0x2f: {  	[tilespmem:s10], [sflag:$0x1] =	stream.linear.gather [hbm4b:s8+s13], $0x7D0, $0x38;
	[tilespmem:$0x2F80] =	vst v63  }
0x30: {  	_ =	swait.ge [sflag:s11], $0x7D0  }
0x31: {  	[sflag:s11] =	ssyncset.done $0x0  }
0x32: {  	s14 =	simm.s32 $0x0;
	s13 =	simm.s32 $0x40;
	[sflag:s11] =	ssyncadd.s32 $0xFFFFF830  }
.LBB2_10:
0x33: {  	p0 =	sne.s32 s13, $0x1F00;
	v2 =	vld [tilespmem:s14+$0x2780];
	_ =	sdelay $0x3  }
.Ltmp4:
0x34: {  	(pc) =	sbr.rel @p0 .LBB2_10-.Ltmp4, $2  }
0x35: {  	_ =	sdelay $0x2  }
0x36: {  	s14 =	sshra.s32 s13, $0x2;
	s13 =	sadd.s32 $0x40, s13;
	[tilespmem:v2+s2+$0x0] =	vst.idx.add.f32.msk $0xffff, v1  }
0x37: {  	v2 =	vld [tilespmem:s14+$0x2780];
	_ =	sdelay $0x7  }
0x38: {  	s13 =	simm.s32 $0x0;
	[tilespmem:v2+s2+$0x0] =	vst.idx.add.f32.msk $0xffff, v1  }
0x39: {  	[tilespmem:s10], [sflag:$0x1] =	stream.linear.gather [hbm4b:s9+s13], $0x7D0, $0x38;
	[tilespmem:$0x2F80] =	vst v63  }
0x3a: {  	_ =	swait.ge [sflag:s11], $0x7D0  }
0x3b: {  	[sflag:s11] =	ssyncset.done $0x0  }
0x3c: {  	s14 =	simm.s32 $0x0;
	s13 =	simm.s32 $0x40;
	[sflag:s11] =	ssyncadd.s32 $0xFFFFF830  }
.LBB2_12:
0x3d: {  	p0 =	sne.s32 s13, $0x1F00;
	v2 =	vld [tilespmem:s14+$0x2780];
	_ =	sdelay $0x3  }
.Ltmp5:
0x3e: {  	(pc) =	sbr.rel @p0 .LBB2_12-.Ltmp5, $2  }
0x3f: {  	_ =	sdelay $0x2  }
0x40: {  	s14 =	sshra.s32 s13, $0x2;
	s13 =	sadd.s32 $0x40, s13;
	[tilespmem:v2+s2+$0x0] =	vst.idx.add.f32.msk $0xffff, v1  }
0x41: {  	v2 =	vld [tilespmem:s14+$0x2780];
	_ =	sdelay $0x5  }
0x42: {  	s12 =	sadd.s32 $0x1, s12  }
0x43: {  	p0 =	sne.s32 s12, s5  }
.Ltmp6:
0x44: {  	[tilespmem:v2+s2+$0x0] =	vst.idx.add.f32.msk $0xffff, v1;
	(pc) =	sbr.rel @p0 .LBB2_1-.Ltmp6, $4  }
0x45: {  	[hbm4b:s4+s2] =	stream.linear.scatter [tilespmem:s2], [sflag:$0x1], $0x2710, $0x38;
	[tilespmem:$0x2F80] =	vst v63  }
0x46: {  	_ =	swait.ge [sflag:s11], $0x2710  }
0x47: {  	[sflag:s11] =	ssyncset.done $0x0  }
0x48: {  	[sflag:s11] =	ssyncadd.s32 $0xFFFFD8F0  }
0x49: {  	_ =	sfence.sel $0x180000  }
0x4a: {  	[bflag:$0x0] =	sbarrier.arrive $0xFFFF  }
0x4b: {  	p0 =	sne.s32 s0, $0x0;
	_ =	strace $0x90000047  }
0x4c: {  	s0 =	sadd.s32 @!p0 $0x100000, s1;
	[bflag:$0x2] =	sbarrier.arrive $0xFFFF  }
0x4d: {  	[sflag:s0] =	ssyncadd.tile.s32 @!p0 $0x1;
	_ =	shalt  }
.Lfunc_end2:
_tile_overlayer_lowered:
.L_overlay_start_2:
0x4e: {  	(tag) =	ssettag $0x2  }
0x4f: {  	s0 =	rddreg [dreg:$0x0];
	s2 =	stileid.u32  }
0x50: {  	s1 =	rddreg [dreg:$0x1];
	p0 =	sne.s32 s2, $0x0  }
0x51: {  	s3 =	rddreg [dreg:$0x2];
	[bflag:$0x3] =	sbarrier.arrive $0xFFFF;
	s2 =	simm.s32 @!p0 $0x1C01  }
0x52: {  	[timem:s3], [sflag:s2] =	dma.local @!p0 [hbm:s0], s1  }
0x53: {  	s0 =	simm.s32 @!p0 $0x1  }
0x54: {  	_ =	swait.ge @!p0 [sflag:s0], s1  }
0x55: {  	s1 =	ssub.s32 @!p0 $0x0, s1;
	[sflag:s0] =	ssyncset.done @!p0 $0x0  }
0x56: {  	[sflag:s0] =	ssyncadd.s32 @!p0 s1  }
0x57: {  	[bflag:$0x3] =	sbarrier.arrive $0xFFFF  }
0x58: {  	_ =	shalt  }

</sc_bundles>
